<compile_context>
chip_gen: v7x
topology: tpu7x:2x2x1
jax: 0.10.2.dev20260603
libtpu: 0.0.44.dev20260713+nightly
codegen_flags: <defaults>
</compile_context>

<pallas_src>
import functools

import jax
import jax.numpy as jnp
from jax import lax
from jax.experimental import pallas as pl
from jax.experimental.pallas import tpu as pltpu
from jax.experimental.pallas import tpu_sc as plsc

_EPS = 1e-09
_C = 10
_NW = 16


@functools.cache
def _make_sc(B):
    cols = B // _NW
    mesh = plsc.VectorSubcoreMesh(
        core_axis_name="c", subcore_axis_name="s", num_cores=1
    )

    @functools.partial(
        pl.kernel,
        out_type=[
            jax.ShapeDtypeStruct((_C * B,), jnp.float32),
            jax.ShapeDtypeStruct((_C * B,), jnp.float32),
        ],
        mesh=mesh,
        compiler_params=pltpu.CompilerParams(
            needs_layout_passes=False,
            skip_device_barrier=True,
        ),
        scratch_types=[
            pltpu.VMEM((cols,), jnp.int32),
            pltpu.VMEM((_C * cols,), jnp.float32),
            pltpu.SemaphoreType.DMA,
            pltpu.SemaphoreType.DMA,
        ],
    )
    def k(labels_hbm, mu_hbm, std_hbm, lab_v, buf_v, lsem, osem):
        wid = lax.axis_index("s") + lax.axis_index("c") * 16
        cbase = wid * cols

        cp = pltpu.async_copy(labels_hbm.at[pl.ds(cbase, cols)], lab_v, lsem)

        eps16 = jnp.full((16,), _EPS, jnp.float32)

        def fill(i, carry):
            for j in range(_C):
                buf_v[pl.ds((i * _C + j) * 16, 16)] = eps16
            return carry

        lax.fori_loop(0, (_C * cols) // (16 * _C), fill, 0)

        std_cps = [
            pltpu.async_copy(
                buf_v.at[pl.ds(c * cols, cols)],
                std_hbm.at[pl.ds(c * B + cbase, cols)],
                osem,
            )
            for c in range(_C)
        ]
        cp.wait()
        for scp in std_cps:
            scp.wait()

        one16 = jnp.full((16,), jnp.float32(1.0 - _EPS), jnp.float32)
        iota16 = lax.iota(jnp.int32, 16)

        def scat(i, carry):
            lab = lab_v[pl.ds(i * 16, 16)]
            col = iota16 + i * 16
            plsc.store_scatter(buf_v, [lab * cols + col], one16)
            return carry

        lax.fori_loop(0, cols // 16, scat, 0)

        mu_cps = [
            pltpu.async_copy(
                buf_v.at[pl.ds(c * cols, cols)],
                mu_hbm.at[pl.ds(c * B + cbase, cols)],
                osem,
            )
            for c in range(_C)
        ]
        for mcp in mu_cps:
            mcp.wait()

    return k


def kernel(labels, cuda):
    B = labels.shape[0]
    mu_f, std_f = _make_sc(B)(labels)
    mu = jnp.transpose(mu_f.reshape(1, _C, B), (0, 2, 1))
    std = jnp.transpose(std_f.reshape(1, _C, B), (0, 2, 1))
    return mu, std

# --- scband reference (transcript-rebuilt; emitter-appended) ---
"""Pipeline reference for scband-encoder-b2-65077344469494 (READ-ONLY COPY).

The authoritative reference and input builder live on the scoring server;
editing this copy changes nothing except your own understanding.
"""

import jax, jax.numpy as jnp
import numpy as np

EPS = 1e-09
B = 16384
NUM_CLASSES = 10

def setup_inputs(seed: int = 0) -> dict:
    key = jax.random.key(seed)
    labels = jax.random.randint(key, (B,), 0, NUM_CLASSES, dtype=jnp.int32)
    return {"labels": labels, "cuda": False}

def reference(labels, cuda):
    n = labels.shape[0]
    # torch.zeros(B, 10).scatter_(1, labels.unsqueeze(1), 1)
    labels_onehot = jnp.zeros((n, NUM_CLASSES), dtype=jnp.float32)
    labels_onehot = labels_onehot.at[jnp.arange(n), labels].set(1.0)
    # torch.clamp(labels_onehot, EPS, 1 - EPS)
    labels_onehot = jnp.clip(labels_onehot, EPS, 1.0 - EPS)
    # muShared = labels_onehot.unsqueeze(0)
    muShared = labels_onehot[None, :, :]
    # stdShared = torch.zeros_like(muShared) + EPS
    stdShared = jnp.zeros_like(muShared) + EPS
    # q.normal(loc=muShared, scale=stdShared, name='sharedB') registers a Normal
    # distribution in the probtorch trace; the numerical content is (mu, std).
    return (muShared, stdShared)

if __name__ == "__main__":
    import jax
    _d = setup_inputs()
    print(jax.jit(kernel)(*tuple(_d.values())))

</pallas_src>

<mosaic_0001>
#map = affine_map<(d0, d1) -> (0)>
module attributes {stable_mosaic.version = 14 : i64} {
  func.func @k(%arg0: i32, %arg1: i32, %arg2: memref<16384xi32, #tpu.memory_space<hbm>>, %arg3: memref<163840xf32, #tpu.memory_space<hbm>>, %arg4: memref<163840xf32, #tpu.memory_space<hbm>>, %arg5: memref<1024xi32, #tpu.memory_space<vmem>>, %arg6: memref<10240xf32, #tpu.memory_space<vmem>>, %arg7: memref<!tpu.dma_semaphore, #tpu.memory_space<semaphore_mem>>, %arg8: memref<!tpu.dma_semaphore, #tpu.memory_space<semaphore_mem>>) attributes {dimension_semantics = [#tpu.dimension_semantics<core_parallel>, #tpu.dimension_semantics<subcore_parallel>], iteration_bounds = array<i64: 1, 16>, scalar_prefetch = 0 : i64, scratch_operands = 4 : i64, tpu.core_type = #tpu.core_type<sc_vector_subcore>, window_params = [{transform_indices = #map}, {transform_indices = #map}, {transform_indices = #map}]} {
    %mul3A = arith.constant 16 : i32
    %mul3A_0 = arith.muli %arg0, %mul3A : i32
    %add3A = arith.addi %arg1, %mul3A_0 : i32
    %mul3A_1 = arith.constant 1024 : i32
    %mul3A_2 = arith.muli %add3A, %mul3A_1 : i32
    %dma_start3A = tpu.memref_slice %arg2[%mul3A_2] : memref<16384xi32, #tpu.memory_space<hbm>> -> memref<1024xi32, #tpu.memory_space<hbm>>
    %dma_start3A_3 = tpu.memref_slice %arg2[%mul3A_2] : memref<16384xi32, #tpu.memory_space<hbm>> -> memref<1024xi32, #tpu.memory_space<hbm>>
    tpu.enqueue_dma source(%dma_start3A_3 : memref<1024xi32, #tpu.memory_space<hbm>>) target(%arg5 : memref<1024xi32, #tpu.memory_space<vmem>>) target_semaphore(%arg7 : memref<!tpu.dma_semaphore, #tpu.memory_space<semaphore_mem>>)
    %broadcast_in_dim3A = arith.constant 9.99999971E-10 : f32
    %broadcast_in_dim3A_4 = vector.broadcast %broadcast_in_dim3A : f32 to vector<16xf32>
    %scan3A = arith.constant 0 : i32
    %scan3A_5 = arith.constant 0 : i32
    %scan3A_6 = arith.constant 64 : i32
    %scan3A_7 = arith.addi %scan3A_5, %scan3A_6 : i32
    %scan3A_8 = arith.constant 1 : i32
    scf.for %scan3A_299 = %scan3A_5 to %scan3A_7 step %scan3A_8  : i32 {
      %mul3A_300 = arith.constant 10 : i32
      %mul3A_301 = arith.muli %scan3A_299, %mul3A_300 : i32
      %add3A_302 = arith.constant 0 : i32
      %add3A_303 = arith.addi %mul3A_301, %add3A_302 : i32
      %mul3A_304 = arith.constant 16 : i32
      %mul3A_305 = arith.muli %add3A_303, %mul3A_304 : i32
      %swap3A = arith.index_cast %mul3A_305 : i32 to index
      %swap3A_306 = tpu.vector_load %arg6[%swap3A] {strides = array<i32>} : memref<10240xf32, #tpu.memory_space<vmem>>, vector<16xf32>,
      tpu.vector_store %arg6[%swap3A], %broadcast_in_dim3A_4 {strides = array<i32>} : memref<10240xf32, #tpu.memory_space<vmem>>, vector<16xf32>,
      %mul3A_307 = arith.constant 10 : i32
      %mul3A_308 = arith.muli %scan3A_299, %mul3A_307 : i32
      %add3A_309 = arith.constant 1 : i32
      %add3A_310 = arith.addi %mul3A_308, %add3A_309 : i32
      %mul3A_311 = arith.constant 16 : i32
      %mul3A_312 = arith.muli %add3A_310, %mul3A_311 : i32
      %swap3A_313 = arith.index_cast %mul3A_312 : i32 to index
      %swap3A_314 = tpu.vector_load %arg6[%swap3A_313] {strides = array<i32>} : memref<10240xf32, #tpu.memory_space<vmem>>, vector<16xf32>,
      tpu.vector_store %arg6[%swap3A_313], %broadcast_in_dim3A_4 {strides = array<i32>} : memref<10240xf32, #tpu.memory_space<vmem>>, vector<16xf32>,
      %mul3A_315 = arith.constant 10 : i32
      %mul3A_316 = arith.muli %scan3A_299, %mul3A_315 : i32
      %add3A_317 = arith.constant 2 : i32
      %add3A_318 = arith.addi %mul3A_316, %add3A_317 : i32
      %mul3A_319 = arith.constant 16 : i32
      %mul3A_320 = arith.muli %add3A_318, %mul3A_319 : i32
      %swap3A_321 = arith.index_cast %mul3A_320 : i32 to index
      %swap3A_322 = tpu.vector_load %arg6[%swap3A_321] {strides = array<i32>} : memref<10240xf32, #tpu.memory_space<vmem>>, vector<16xf32>,
      tpu.vector_store %arg6[%swap3A_321], %broadcast_in_dim3A_4 {strides = array<i32>} : memref<10240xf32, #tpu.memory_space<vmem>>, vector<16xf32>,
      %mul3A_323 = arith.constant 10 : i32
      %mul3A_324 = arith.muli %scan3A_299, %mul3A_323 : i32
      %add3A_325 = arith.constant 3 : i32
      %add3A_326 = arith.addi %mul3A_324, %add3A_325 : i32
      %mul3A_327 = arith.constant 16 : i32
      %mul3A_328 = arith.muli %add3A_326, %mul3A_327 : i32
      %swap3A_329 = arith.index_cast %mul3A_328 : i32 to index
      %swap3A_330 = tpu.vector_load %arg6[%swap3A_329] {strides = array<i32>} : memref<10240xf32, #tpu.memory_space<vmem>>, vector<16xf32>,
      tpu.vector_store %arg6[%swap3A_329], %broadcast_in_dim3A_4 {strides = array<i32>} : memref<10240xf32, #tpu.memory_space<vmem>>, vector<16xf32>,
      %mul3A_331 = arith.constant 10 : i32
      %mul3A_332 = arith.muli %scan3A_299, %mul3A_331 : i32
      %add3A_333 = arith.constant 4 : i32
      %add3A_334 = arith.addi %mul3A_332, %add3A_333 : i32
      %mul3A_335 = arith.constant 16 : i32
      %mul3A_336 = arith.muli %add3A_334, %mul3A_335 : i32
      %swap3A_337 = arith.index_cast %mul3A_336 : i32 to index
      %swap3A_338 = tpu.vector_load %arg6[%swap3A_337] {strides = array<i32>} : memref<10240xf32, #tpu.memory_space<vmem>>, vector<16xf32>,
      tpu.vector_store %arg6[%swap3A_337], %broadcast_in_dim3A_4 {strides = array<i32>} : memref<10240xf32, #tpu.memory_space<vmem>>, vector<16xf32>,
      %mul3A_339 = arith.constant 10 : i32
      %mul3A_340 = arith.muli %scan3A_299, %mul3A_339 : i32
      %add3A_341 = arith.constant 5 : i32
      %add3A_342 = arith.addi %mul3A_340, %add3A_341 : i32
      %mul3A_343 = arith.constant 16 : i32
      %mul3A_344 = arith.muli %add3A_342, %mul3A_343 : i32
      %swap3A_345 = arith.index_cast %mul3A_344 : i32 to index
      %swap3A_346 = tpu.vector_load %arg6[%swap3A_345] {strides = array<i32>} : memref<10240xf32, #tpu.memory_space<vmem>>, vector<16xf32>,
      tpu.vector_store %arg6[%swap3A_345], %broadcast_in_dim3A_4 {strides = array<i32>} : memref<10240xf32, #tpu.memory_space<vmem>>, vector<16xf32>,
      %mul3A_347 = arith.constant 10 : i32
      %mul3A_348 = arith.muli %scan3A_299, %mul3A_347 : i32
      %add3A_349 = arith.constant 6 : i32
      %add3A_350 = arith.addi %mul3A_348, %add3A_349 : i32
      %mul3A_351 = arith.constant 16 : i32
      %mul3A_352 = arith.muli %add3A_350, %mul3A_351 : i32
      %swap3A_353 = arith.index_cast %mul3A_352 : i32 to index
      %swap3A_354 = tpu.vector_load %arg6[%swap3A_353] {strides = array<i32>} : memref<10240xf32, #tpu.memory_space<vmem>>, vector<16xf32>,
      tpu.vector_store %arg6[%swap3A_353], %broadcast_in_dim3A_4 {strides = array<i32>} : memref<10240xf32, #tpu.memory_space<vmem>>, vector<16xf32>,
      %mul3A_355 = arith.constant 10 : i32
      %mul3A_356 = arith.muli %scan3A_299, %mul3A_355 : i32
      %add3A_357 = arith.constant 7 : i32
      %add3A_358 = arith.addi %mul3A_356, %add3A_357 : i32
      %mul3A_359 = arith.constant 16 : i32
      %mul3A_360 = arith.muli %add3A_358, %mul3A_359 : i32
      %swap3A_361 = arith.index_cast %mul3A_360 : i32 to index
      %swap3A_362 = tpu.vector_load %arg6[%swap3A_361] {strides = array<i32>} : memref<10240xf32, #tpu.memory_space<vmem>>, vector<16xf32>,
      tpu.vector_store %arg6[%swap3A_361], %broadcast_in_dim3A_4 {strides = array<i32>} : memref<10240xf32, #tpu.memory_space<vmem>>, vector<16xf32>,
      %mul3A_363 = arith.constant 10 : i32
      %mul3A_364 = arith.muli %scan3A_299, %mul3A_363 : i32
      %add3A_365 = arith.constant 8 : i32
      %add3A_366 = arith.addi %mul3A_364, %add3A_365 : i32
      %mul3A_367 = arith.constant 16 : i32
      %mul3A_368 = arith.muli %add3A_366, %mul3A_367 : i32
      %swap3A_369 = arith.index_cast %mul3A_368 : i32 to index
      %swap3A_370 = tpu.vector_load %arg6[%swap3A_369] {strides = array<i32>} : memref<10240xf32, #tpu.memory_space<vmem>>, vector<16xf32>,
      tpu.vector_store %arg6[%swap3A_369], %broadcast_in_dim3A_4 {strides = array<i32>} : memref<10240xf32, #tpu.memory_space<vmem>>, vector<16xf32>,
      %mul3A_371 = arith.constant 10 : i32
      %mul3A_372 = arith.muli %scan3A_299, %mul3A_371 : i32
      %add3A_373 = arith.constant 9 : i32
      %add3A_374 = arith.addi %mul3A_372, %add3A_373 : i32
      %mul3A_375 = arith.constant 16 : i32
      %mul3A_376 = arith.muli %add3A_374, %mul3A_375 : i32
      %swap3A_377 = arith.index_cast %mul3A_376 : i32 to index
      %swap3A_378 = tpu.vector_load %arg6[%swap3A_377] {strides = array<i32>} : memref<10240xf32, #tpu.memory_space<vmem>>, vector<16xf32>,
      tpu.vector_store %arg6[%swap3A_377], %broadcast_in_dim3A_4 {strides = array<i32>} : memref<10240xf32, #tpu.memory_space<vmem>>, vector<16xf32>,
    }
    %scan3A_9 = arith.constant 64 : i32
    %add3A_10 = arith.constant 0 : i32
    %add3A_11 = arith.addi %add3A_10, %mul3A_2 : i32
    %dma_start3A_12 = arith.constant 0 : i32
    %dma_start3A_13 = tpu.memref_slice %arg6[%dma_start3A_12] : memref<10240xf32, #tpu.memory_space<vmem>> -> memref<1024xf32, #tpu.memory_space<vmem>>
    %dma_start3A_14 = tpu.memref_slice %arg4[%add3A_11] : memref<163840xf32, #tpu.memory_space<hbm>> -> memref<1024xf32, #tpu.memory_space<hbm>>
    %dma_start3A_15 = tpu.memref_slice %arg4[%add3A_11] : memref<163840xf32, #tpu.memory_space<hbm>> -> memref<1024xf32, #tpu.memory_space<hbm>>
    %dma_start3A_16 = arith.constant 0 : i32
    %dma_start3A_17 = tpu.memref_slice %arg6[%dma_start3A_16] : memref<10240xf32, #tpu.memory_space<vmem>> -> memref<1024xf32, #tpu.memory_space<vmem>>
    tpu.enqueue_dma source(%dma_start3A_17 : memref<1024xf32, #tpu.memory_space<vmem>>) target(%dma_start3A_15 : memref<1024xf32, #tpu.memory_space<hbm>>) target_semaphore(%arg8 : memref<!tpu.dma_semaphore, #tpu.memory_space<semaphore_mem>>)
    %add3A_18 = arith.constant 16384 : i32
    %add3A_19 = arith.addi %add3A_18, %mul3A_2 : i32
    %dma_start3A_20 = arith.constant 1024 : i32
    %dma_start3A_21 = tpu.memref_slice %arg6[%dma_start3A_20] : memref<10240xf32, #tpu.memory_space<vmem>> -> memref<1024xf32, #tpu.memory_space<vmem>>
    %dma_start3A_22 = tpu.memref_slice %arg4[%add3A_19] : memref<163840xf32, #tpu.memory_space<hbm>> -> memref<1024xf32, #tpu.memory_space<hbm>>
    %dma_start3A_23 = tpu.memref_slice %arg4[%add3A_19] : memref<163840xf32, #tpu.memory_space<hbm>> -> memref<1024xf32, #tpu.memory_space<hbm>>
    %dma_start3A_24 = arith.constant 1024 : i32
    %dma_start3A_25 = tpu.memref_slice %arg6[%dma_start3A_24] : memref<10240xf32, #tpu.memory_space<vmem>> -> memref<1024xf32, #tpu.memory_space<vmem>>
    tpu.enqueue_dma source(%dma_start3A_25 : memref<1024xf32, #tpu.memory_space<vmem>>) target(%dma_start3A_23 : memref<1024xf32, #tpu.memory_space<hbm>>) target_semaphore(%arg8 : memref<!tpu.dma_semaphore, #tpu.memory_space<semaphore_mem>>)
    %add3A_26 = arith.constant 32768 : i32
    %add3A_27 = arith.addi %add3A_26, %mul3A_2 : i32
    %dma_start3A_28 = arith.constant 2048 : i32
    %dma_start3A_29 = tpu.memref_slice %arg6[%dma_start3A_28] : memref<10240xf32, #tpu.memory_space<vmem>> -> memref<1024xf32, #tpu.memory_space<vmem>>
    %dma_start3A_30 = tpu.memref_slice %arg4[%add3A_27] : memref<163840xf32, #tpu.memory_space<hbm>> -> memref<1024xf32, #tpu.memory_space<hbm>>
    %dma_start3A_31 = tpu.memref_slice %arg4[%add3A_27] : memref<163840xf32, #tpu.memory_space<hbm>> -> memref<1024xf32, #tpu.memory_space<hbm>>
    %dma_start3A_32 = arith.constant 2048 : i32
    %dma_start3A_33 = tpu.memref_slice %arg6[%dma_start3A_32] : memref<10240xf32, #tpu.memory_space<vmem>> -> memref<1024xf32, #tpu.memory_space<vmem>>
    tpu.enqueue_dma source(%dma_start3A_33 : memref<1024xf32, #tpu.memory_space<vmem>>) target(%dma_start3A_31 : memref<1024xf32, #tpu.memory_space<hbm>>) target_semaphore(%arg8 : memref<!tpu.dma_semaphore, #tpu.memory_space<semaphore_mem>>)
    %add3A_34 = arith.constant 49152 : i32
    %add3A_35 = arith.addi %add3A_34, %mul3A_2 : i32
    %dma_start3A_36 = arith.constant 3072 : i32
    %dma_start3A_37 = tpu.memref_slice %arg6[%dma_start3A_36] : memref<10240xf32, #tpu.memory_space<vmem>> -> memref<1024xf32, #tpu.memory_space<vmem>>
    %dma_start3A_38 = tpu.memref_slice %arg4[%add3A_35] : memref<163840xf32, #tpu.memory_space<hbm>> -> memref<1024xf32, #tpu.memory_space<hbm>>
    %dma_start3A_39 = tpu.memref_slice %arg4[%add3A_35] : memref<163840xf32, #tpu.memory_space<hbm>> -> memref<1024xf32, #tpu.memory_space<hbm>>
    %dma_start3A_40 = arith.constant 3072 : i32
    %dma_start3A_41 = tpu.memref_slice %arg6[%dma_start3A_40] : memref<10240xf32, #tpu.memory_space<vmem>> -> memref<1024xf32, #tpu.memory_space<vmem>>
    tpu.enqueue_dma source(%dma_start3A_41 : memref<1024xf32, #tpu.memory_space<vmem>>) target(%dma_start3A_39 : memref<1024xf32, #tpu.memory_space<hbm>>) target_semaphore(%arg8 : memref<!tpu.dma_semaphore, #tpu.memory_space<semaphore_mem>>)
    %add3A_42 = arith.constant 65536 : i32
    %add3A_43 = arith.addi %add3A_42, %mul3A_2 : i32
    %dma_start3A_44 = arith.constant 4096 : i32
    %dma_start3A_45 = tpu.memref_slice %arg6[%dma_start3A_44] : memref<10240xf32, #tpu.memory_space<vmem>> -> memref<1024xf32, #tpu.memory_space<vmem>>
    %dma_start3A_46 = tpu.memref_slice %arg4[%add3A_43] : memref<163840xf32, #tpu.memory_space<hbm>> -> memref<1024xf32, #tpu.memory_space<hbm>>
    %dma_start3A_47 = tpu.memref_slice %arg4[%add3A_43] : memref<163840xf32, #tpu.memory_space<hbm>> -> memref<1024xf32, #tpu.memory_space<hbm>>
    %dma_start3A_48 = arith.constant 4096 : i32
    %dma_start3A_49 = tpu.memref_slice %arg6[%dma_start3A_48] : memref<10240xf32, #tpu.memory_space<vmem>> -> memref<1024xf32, #tpu.memory_space<vmem>>
    tpu.enqueue_dma source(%dma_start3A_49 : memref<1024xf32, #tpu.memory_space<vmem>>) target(%dma_start3A_47 : memref<1024xf32, #tpu.memory_space<hbm>>) target_semaphore(%arg8 : memref<!tpu.dma_semaphore, #tpu.memory_space<semaphore_mem>>)
    %add3A_50 = arith.constant 81920 : i32
    %add3A_51 = arith.addi %add3A_50, %mul3A_2 : i32
    %dma_start3A_52 = arith.constant 5120 : i32
    %dma_start3A_53 = tpu.memref_slice %arg6[%dma_start3A_52] : memref<10240xf32, #tpu.memory_space<vmem>> -> memref<1024xf32, #tpu.memory_space<vmem>>
    %dma_start3A_54 = tpu.memref_slice %arg4[%add3A_51] : memref<163840xf32, #tpu.memory_space<hbm>> -> memref<1024xf32, #tpu.memory_space<hbm>>
    %dma_start3A_55 = tpu.memref_slice %arg4[%add3A_51] : memref<163840xf32, #tpu.memory_space<hbm>> -> memref<1024xf32, #tpu.memory_space<hbm>>
    %dma_start3A_56 = arith.constant 5120 : i32
    %dma_start3A_57 = tpu.memref_slice %arg6[%dma_start3A_56] : memref<10240xf32, #tpu.memory_space<vmem>> -> memref<1024xf32, #tpu.memory_space<vmem>>
    tpu.enqueue_dma source(%dma_start3A_57 : memref<1024xf32, #tpu.memory_space<vmem>>) target(%dma_start3A_55 : memref<1024xf32, #tpu.memory_space<hbm>>) target_semaphore(%arg8 : memref<!tpu.dma_semaphore, #tpu.memory_space<semaphore_mem>>)
    %add3A_58 = arith.constant 98304 : i32
    %add3A_59 = arith.addi %add3A_58, %mul3A_2 : i32
    %dma_start3A_60 = arith.constant 6144 : i32
    %dma_start3A_61 = tpu.memref_slice %arg6[%dma_start3A_60] : memref<10240xf32, #tpu.memory_space<vmem>> -> memref<1024xf32, #tpu.memory_space<vmem>>
    %dma_start3A_62 = tpu.memref_slice %arg4[%add3A_59] : memref<163840xf32, #tpu.memory_space<hbm>> -> memref<1024xf32, #tpu.memory_space<hbm>>
    %dma_start3A_63 = tpu.memref_slice %arg4[%add3A_59] : memref<163840xf32, #tpu.memory_space<hbm>> -> memref<1024xf32, #tpu.memory_space<hbm>>
    %dma_start3A_64 = arith.constant 6144 : i32
    %dma_start3A_65 = tpu.memref_slice %arg6[%dma_start3A_64] : memref<10240xf32, #tpu.memory_space<vmem>> -> memref<1024xf32, #tpu.memory_space<vmem>>
    tpu.enqueue_dma source(%dma_start3A_65 : memref<1024xf32, #tpu.memory_space<vmem>>) target(%dma_start3A_63 : memref<1024xf32, #tpu.memory_space<hbm>>) target_semaphore(%arg8 : memref<!tpu.dma_semaphore, #tpu.memory_space<semaphore_mem>>)
    %add3A_66 = arith.constant 114688 : i32
    %add3A_67 = arith.addi %add3A_66, %mul3A_2 : i32
    %dma_start3A_68 = arith.constant 7168 : i32
    %dma_start3A_69 = tpu.memref_slice %arg6[%dma_start3A_68] : memref<10240xf32, #tpu.memory_space<vmem>> -> memref<1024xf32, #tpu.memory_space<vmem>>
    %dma_start3A_70 = tpu.memref_slice %arg4[%add3A_67] : memref<163840xf32, #tpu.memory_space<hbm>> -> memref<1024xf32, #tpu.memory_space<hbm>>
    %dma_start3A_71 = tpu.memref_slice %arg4[%add3A_67] : memref<163840xf32, #tpu.memory_space<hbm>> -> memref<1024xf32, #tpu.memory_space<hbm>>
    %dma_start3A_72 = arith.constant 7168 : i32
    %dma_start3A_73 = tpu.memref_slice %arg6[%dma_start3A_72] : memref<10240xf32, #tpu.memory_space<vmem>> -> memref<1024xf32, #tpu.memory_space<vmem>>
    tpu.enqueue_dma source(%dma_start3A_73 : memref<1024xf32, #tpu.memory_space<vmem>>) target(%dma_start3A_71 : memref<1024xf32, #tpu.memory_space<hbm>>) target_semaphore(%arg8 : memref<!tpu.dma_semaphore, #tpu.memory_space<semaphore_mem>>)
    %add3A_74 = arith.constant 131072 : i32
    %add3A_75 = arith.addi %add3A_74, %mul3A_2 : i32
    %dma_start3A_76 = arith.constant 8192 : i32
    %dma_start3A_77 = tpu.memref_slice %arg6[%dma_start3A_76] : memref<10240xf32, #tpu.memory_space<vmem>> -> memref<1024xf32, #tpu.memory_space<vmem>>
    %dma_start3A_78 = tpu.memref_slice %arg4[%add3A_75] : memref<163840xf32, #tpu.memory_space<hbm>> -> memref<1024xf32, #tpu.memory_space<hbm>>
    %dma_start3A_79 = tpu.memref_slice %arg4[%add3A_75] : memref<163840xf32, #tpu.memory_space<hbm>> -> memref<1024xf32, #tpu.memory_space<hbm>>
    %dma_start3A_80 = arith.constant 8192 : i32
    %dma_start3A_81 = tpu.memref_slice %arg6[%dma_start3A_80] : memref<10240xf32, #tpu.memory_space<vmem>> -> memref<1024xf32, #tpu.memory_space<vmem>>
    tpu.enqueue_dma source(%dma_start3A_81 : memref<1024xf32, #tpu.memory_space<vmem>>) target(%dma_start3A_79 : memref<1024xf32, #tpu.memory_space<hbm>>) target_semaphore(%arg8 : memref<!tpu.dma_semaphore, #tpu.memory_space<semaphore_mem>>)
    %add3A_82 = arith.constant 147456 : i32
    %add3A_83 = arith.addi %add3A_82, %mul3A_2 : i32
    %dma_start3A_84 = arith.constant 9216 : i32
    %dma_start3A_85 = tpu.memref_slice %arg6[%dma_start3A_84] : memref<10240xf32, #tpu.memory_space<vmem>> -> memref<1024xf32, #tpu.memory_space<vmem>>
    %dma_start3A_86 = tpu.memref_slice %arg4[%add3A_83] : memref<163840xf32, #tpu.memory_space<hbm>> -> memref<1024xf32, #tpu.memory_space<hbm>>
    %dma_start3A_87 = tpu.memref_slice %arg4[%add3A_83] : memref<163840xf32, #tpu.memory_space<hbm>> -> memref<1024xf32, #tpu.memory_space<hbm>>
    %dma_start3A_88 = arith.constant 9216 : i32
    %dma_start3A_89 = tpu.memref_slice %arg6[%dma_start3A_88] : memref<10240xf32, #tpu.memory_space<vmem>> -> memref<1024xf32, #tpu.memory_space<vmem>>
    tpu.enqueue_dma source(%dma_start3A_89 : memref<1024xf32, #tpu.memory_space<vmem>>) target(%dma_start3A_87 : memref<1024xf32, #tpu.memory_space<hbm>>) target_semaphore(%arg8 : memref<!tpu.dma_semaphore, #tpu.memory_space<semaphore_mem>>)
    %dma_wait3A = tpu.memref_slice %arg2[%mul3A_2] : memref<16384xi32, #tpu.memory_space<hbm>> -> memref<1024xi32, #tpu.memory_space<hbm>>
    %dma_wait3A_90 = tpu.memref_slice %arg2[%mul3A_2] : memref<16384xi32, #tpu.memory_space<hbm>> -> memref<1024xi32, #tpu.memory_space<hbm>>
    tpu.wait_dma2 semaphore(%arg7 : memref<!tpu.dma_semaphore, #tpu.memory_space<semaphore_mem>>) src(%dma_wait3A_90 : memref<1024xi32, #tpu.memory_space<hbm>>) dst(%arg5 : memref<1024xi32, #tpu.memory_space<vmem>>)
    %dma_wait3A_91 = arith.constant 0 : i32
    %dma_wait3A_92 = tpu.memref_slice %arg6[%dma_wait3A_91] : memref<10240xf32, #tpu.memory_space<vmem>> -> memref<1024xf32, #tpu.memory_space<vmem>>
    %dma_wait3A_93 = tpu.memref_slice %arg4[%add3A_11] : memref<163840xf32, #tpu.memory_space<hbm>> -> memref<1024xf32, #tpu.memory_space<hbm>>
    %dma_wait3A_94 = tpu.memref_slice %arg4[%add3A_11] : memref<163840xf32, #tpu.memory_space<hbm>> -> memref<1024xf32, #tpu.memory_space<hbm>>
    %dma_wait3A_95 = arith.constant 0 : i32
    %dma_wait3A_96 = tpu.memref_slice %arg6[%dma_wait3A_95] : memref<10240xf32, #tpu.memory_space<vmem>> -> memref<1024xf32, #tpu.memory_space<vmem>>
    tpu.wait_dma2 semaphore(%arg8 : memref<!tpu.dma_semaphore, #tpu.memory_space<semaphore_mem>>) src(%dma_wait3A_96 : memref<1024xf32, #tpu.memory_space<vmem>>) dst(%dma_wait3A_94 : memref<1024xf32, #tpu.memory_space<hbm>>)
    %dma_wait3A_97 = arith.constant 1024 : i32
    %dma_wait3A_98 = tpu.memref_slice %arg6[%dma_wait3A_97] : memref<10240xf32, #tpu.memory_space<vmem>> -> memref<1024xf32, #tpu.memory_space<vmem>>
    %dma_wait3A_99 = tpu.memref_slice %arg4[%add3A_19] : memref<163840xf32, #tpu.memory_space<hbm>> -> memref<1024xf32, #tpu.memory_space<hbm>>
    %dma_wait3A_100 = tpu.memref_slice %arg4[%add3A_19] : memref<163840xf32, #tpu.memory_space<hbm>> -> memref<1024xf32, #tpu.memory_space<hbm>>
    %dma_wait3A_101 = arith.constant 1024 : i32
    %dma_wait3A_102 = tpu.memref_slice %arg6[%dma_wait3A_101] : memref<10240xf32, #tpu.memory_space<vmem>> -> memref<1024xf32, #tpu.memory_space<vmem>>
    tpu.wait_dma2 semaphore(%arg8 : memref<!tpu.dma_semaphore, #tpu.memory_space<semaphore_mem>>) src(%dma_wait3A_102 : memref<1024xf32, #tpu.memory_space<vmem>>) dst(%dma_wait3A_100 : memref<1024xf32, #tpu.memory_space<hbm>>)
    %dma_wait3A_103 = arith.constant 2048 : i32
    %dma_wait3A_104 = tpu.memref_slice %arg6[%dma_wait3A_103] : memref<10240xf32, #tpu.memory_space<vmem>> -> memref<1024xf32, #tpu.memory_space<vmem>>
    %dma_wait3A_105 = tpu.memref_slice %arg4[%add3A_27] : memref<163840xf32, #tpu.memory_space<hbm>> -> memref<1024xf32, #tpu.memory_space<hbm>>
    %dma_wait3A_106 = tpu.memref_slice %arg4[%add3A_27] : memref<163840xf32, #tpu.memory_space<hbm>> -> memref<1024xf32, #tpu.memory_space<hbm>>
    %dma_wait3A_107 = arith.constant 2048 : i32
    %dma_wait3A_108 = tpu.memref_slice %arg6[%dma_wait3A_107] : memref<10240xf32, #tpu.memory_space<vmem>> -> memref<1024xf32, #tpu.memory_space<vmem>>
    tpu.wait_dma2 semaphore(%arg8 : memref<!tpu.dma_semaphore, #tpu.memory_space<semaphore_mem>>) src(%dma_wait3A_108 : memref<1024xf32, #tpu.memory_space<vmem>>) dst(%dma_wait3A_106 : memref<1024xf32, #tpu.memory_space<hbm>>)
    %dma_wait3A_109 = arith.constant 3072 : i32
    %dma_wait3A_110 = tpu.memref_slice %arg6[%dma_wait3A_109] : memref<10240xf32, #tpu.memory_space<vmem>> -> memref<1024xf32, #tpu.memory_space<vmem>>
    %dma_wait3A_111 = tpu.memref_slice %arg4[%add3A_35] : memref<163840xf32, #tpu.memory_space<hbm>> -> memref<1024xf32, #tpu.memory_space<hbm>>
    %dma_wait3A_112 = tpu.memref_slice %arg4[%add3A_35] : memref<163840xf32, #tpu.memory_space<hbm>> -> memref<1024xf32, #tpu.memory_space<hbm>>
    %dma_wait3A_113 = arith.constant 3072 : i32
    %dma_wait3A_114 = tpu.memref_slice %arg6[%dma_wait3A_113] : memref<10240xf32, #tpu.memory_space<vmem>> -> memref<1024xf32, #tpu.memory_space<vmem>>
    tpu.wait_dma2 semaphore(%arg8 : memref<!tpu.dma_semaphore, #tpu.memory_space<semaphore_mem>>) src(%dma_wait3A_114 : memref<1024xf32, #tpu.memory_space<vmem>>) dst(%dma_wait3A_112 : memref<1024xf32, #tpu.memory_space<hbm>>)
    %dma_wait3A_115 = arith.constant 4096 : i32
    %dma_wait3A_116 = tpu.memref_slice %arg6[%dma_wait3A_115] : memref<10240xf32, #tpu.memory_space<vmem>> -> memref<1024xf32, #tpu.memory_space<vmem>>
    %dma_wait3A_117 = tpu.memref_slice %arg4[%add3A_43] : memref<163840xf32, #tpu.memory_space<hbm>> -> memref<1024xf32, #tpu.memory_space<hbm>>
    %dma_wait3A_118 = tpu.memref_slice %arg4[%add3A_43] : memref<163840xf32, #tpu.memory_space<hbm>> -> memref<1024xf32, #tpu.memory_space<hbm>>
    %dma_wait3A_119 = arith.constant 4096 : i32
    %dma_wait3A_120 = tpu.memref_slice %arg6[%dma_wait3A_119] : memref<10240xf32, #tpu.memory_space<vmem>> -> memref<1024xf32, #tpu.memory_space<vmem>>
    tpu.wait_dma2 semaphore(%arg8 : memref<!tpu.dma_semaphore, #tpu.memory_space<semaphore_mem>>) src(%dma_wait3A_120 : memref<1024xf32, #tpu.memory_space<vmem>>) dst(%dma_wait3A_118 : memref<1024xf32, #tpu.memory_space<hbm>>)
    %dma_wait3A_121 = arith.constant 5120 : i32
    %dma_wait3A_122 = tpu.memref_slice %arg6[%dma_wait3A_121] : memref<10240xf32, #tpu.memory_space<vmem>> -> memref<1024xf32, #tpu.memory_space<vmem>>
    %dma_wait3A_123 = tpu.memref_slice %arg4[%add3A_51] : memref<163840xf32, #tpu.memory_space<hbm>> -> memref<1024xf32, #tpu.memory_space<hbm>>
    %dma_wait3A_124 = tpu.memref_slice %arg4[%add3A_51] : memref<163840xf32, #tpu.memory_space<hbm>> -> memref<1024xf32, #tpu.memory_space<hbm>>
    %dma_wait3A_125 = arith.constant 5120 : i32
    %dma_wait3A_126 = tpu.memref_slice %arg6[%dma_wait3A_125] : memref<10240xf32, #tpu.memory_space<vmem>> -> memref<1024xf32, #tpu.memory_space<vmem>>
    tpu.wait_dma2 semaphore(%arg8 : memref<!tpu.dma_semaphore, #tpu.memory_space<semaphore_mem>>) src(%dma_wait3A_126 : memref<1024xf32, #tpu.memory_space<vmem>>) dst(%dma_wait3A_124 : memref<1024xf32, #tpu.memory_space<hbm>>)
    %dma_wait3A_127 = arith.constant 6144 : i32
    %dma_wait3A_128 = tpu.memref_slice %arg6[%dma_wait3A_127] : memref<10240xf32, #tpu.memory_space<vmem>> -> memref<1024xf32, #tpu.memory_space<vmem>>
    %dma_wait3A_129 = tpu.memref_slice %arg4[%add3A_59] : memref<163840xf32, #tpu.memory_space<hbm>> -> memref<1024xf32, #tpu.memory_space<hbm>>
    %dma_wait3A_130 = tpu.memref_slice %arg4[%add3A_59] : memref<163840xf32, #tpu.memory_space<hbm>> -> memref<1024xf32, #tpu.memory_space<hbm>>
    %dma_wait3A_131 = arith.constant 6144 : i32
    %dma_wait3A_132 = tpu.memref_slice %arg6[%dma_wait3A_131] : memref<10240xf32, #tpu.memory_space<vmem>> -> memref<1024xf32, #tpu.memory_space<vmem>>
    tpu.wait_dma2 semaphore(%arg8 : memref<!tpu.dma_semaphore, #tpu.memory_space<semaphore_mem>>) src(%dma_wait3A_132 : memref<1024xf32, #tpu.memory_space<vmem>>) dst(%dma_wait3A_130 : memref<1024xf32, #tpu.memory_space<hbm>>)
    %dma_wait3A_133 = arith.constant 7168 : i32
    %dma_wait3A_134 = tpu.memref_slice %arg6[%dma_wait3A_133] : memref<10240xf32, #tpu.memory_space<vmem>> -> memref<1024xf32, #tpu.memory_space<vmem>>
    %dma_wait3A_135 = tpu.memref_slice %arg4[%add3A_67] : memref<163840xf32, #tpu.memory_space<hbm>> -> memref<1024xf32, #tpu.memory_space<hbm>>
    %dma_wait3A_136 = tpu.memref_slice %arg4[%add3A_67] : memref<163840xf32, #tpu.memory_space<hbm>> -> memref<1024xf32, #tpu.memory_space<hbm>>
    %dma_wait3A_137 = arith.constant 7168 : i32
    %dma_wait3A_138 = tpu.memref_slice %arg6[%dma_wait3A_137] : memref<10240xf32, #tpu.memory_space<vmem>> -> memref<1024xf32, #tpu.memory_space<vmem>>
    tpu.wait_dma2 semaphore(%arg8 : memref<!tpu.dma_semaphore, #tpu.memory_space<semaphore_mem>>) src(%dma_wait3A_138 : memref<1024xf32, #tpu.memory_space<vmem>>) dst(%dma_wait3A_136 : memref<1024xf32, #tpu.memory_space<hbm>>)
    %dma_wait3A_139 = arith.constant 8192 : i32
    %dma_wait3A_140 = tpu.memref_slice %arg6[%dma_wait3A_139] : memref<10240xf32, #tpu.memory_space<vmem>> -> memref<1024xf32, #tpu.memory_space<vmem>>
    %dma_wait3A_141 = tpu.memref_slice %arg4[%add3A_75] : memref<163840xf32, #tpu.memory_space<hbm>> -> memref<1024xf32, #tpu.memory_space<hbm>>
    %dma_wait3A_142 = tpu.memref_slice %arg4[%add3A_75] : memref<163840xf32, #tpu.memory_space<hbm>> -> memref<1024xf32, #tpu.memory_space<hbm>>
    %dma_wait3A_143 = arith.constant 8192 : i32
    %dma_wait3A_144 = tpu.memref_slice %arg6[%dma_wait3A_143] : memref<10240xf32, #tpu.memory_space<vmem>> -> memref<1024xf32, #tpu.memory_space<vmem>>
    tpu.wait_dma2 semaphore(%arg8 : memref<!tpu.dma_semaphore, #tpu.memory_space<semaphore_mem>>) src(%dma_wait3A_144 : memref<1024xf32, #tpu.memory_space<vmem>>) dst(%dma_wait3A_142 : memref<1024xf32, #tpu.memory_space<hbm>>)
    %dma_wait3A_145 = arith.constant 9216 : i32
    %dma_wait3A_146 = tpu.memref_slice %arg6[%dma_wait3A_145] : memref<10240xf32, #tpu.memory_space<vmem>> -> memref<1024xf32, #tpu.memory_space<vmem>>
    %dma_wait3A_147 = tpu.memref_slice %arg4[%add3A_83] : memref<163840xf32, #tpu.memory_space<hbm>> -> memref<1024xf32, #tpu.memory_space<hbm>>
    %dma_wait3A_148 = tpu.memref_slice %arg4[%add3A_83] : memref<163840xf32, #tpu.memory_space<hbm>> -> memref<1024xf32, #tpu.memory_space<hbm>>
    %dma_wait3A_149 = arith.constant 9216 : i32
    %dma_wait3A_150 = tpu.memref_slice %arg6[%dma_wait3A_149] : memref<10240xf32, #tpu.memory_space<vmem>> -> memref<1024xf32, #tpu.memory_space<vmem>>
    tpu.wait_dma2 semaphore(%arg8 : memref<!tpu.dma_semaphore, #tpu.memory_space<semaphore_mem>>) src(%dma_wait3A_150 : memref<1024xf32, #tpu.memory_space<vmem>>) dst(%dma_wait3A_148 : memref<1024xf32, #tpu.memory_space<hbm>>)
    %broadcast_in_dim3A_151 = arith.constant 1.000000e+00 : f32
    %broadcast_in_dim3A_152 = vector.broadcast %broadcast_in_dim3A_151 : f32 to vector<16xf32>
    %iota3A = tpu.iota {dimensions = array<i32: 0>} : vector<16xi32>
    %scan3A_153 = arith.constant 0 : i32
    %scan3A_154 = arith.constant 0 : i32
    %scan3A_155 = arith.constant 64 : i32
    %scan3A_156 = arith.addi %scan3A_154, %scan3A_155 : i32
    %scan3A_157 = arith.constant 1 : i32
    scf.for %scan3A_299 = %scan3A_154 to %scan3A_156 step %scan3A_157  : i32 {
      %mul3A_300 = arith.constant 16 : i32
      %mul3A_301 = arith.muli %scan3A_299, %mul3A_300 : i32
      %get3A = arith.index_cast %mul3A_301 : i32 to index
      %get3A_302 = tpu.vector_load %arg5[%get3A] {strides = array<i32>} : memref<1024xi32, #tpu.memory_space<vmem>>, vector<16xi32>,
      %mul3A_303 = arith.constant 16 : i32
      %mul3A_304 = arith.muli %scan3A_299, %mul3A_303 : i32
      %add3A_305 = vector.broadcast %mul3A_304 : i32 to vector<16xi32>
      %add3A_306 = arith.addi %iota3A, %add3A_305 : vector<16xi32>
      %mul3A_307 = arith.constant 1024 : i32
      %mul3A_308 = vector.broadcast %mul3A_307 : i32 to vector<16xi32>
      %mul3A_309 = arith.muli %get3A_302, %mul3A_308 : vector<16xi32>
      %add3A_310 = arith.addi %mul3A_309, %add3A_306 : vector<16xi32>
      tpu.vector_store_idx %arg6[%add3A_310], %broadcast_in_dim3A_152 : memref<10240xf32, #tpu.memory_space<vmem>>[vector<16xi32>], vector<16xf32>,
    }
    %scan3A_158 = arith.constant 64 : i32
    %add3A_159 = arith.constant 0 : i32
    %add3A_160 = arith.addi %add3A_159, %mul3A_2 : i32
    %dma_start3A_161 = arith.constant 0 : i32
    %dma_start3A_162 = tpu.memref_slice %arg6[%dma_start3A_161] : memref<10240xf32, #tpu.memory_space<vmem>> -> memref<1024xf32, #tpu.memory_space<vmem>>
    %dma_start3A_163 = tpu.memref_slice %arg3[%add3A_160] : memref<163840xf32, #tpu.memory_space<hbm>> -> memref<1024xf32, #tpu.memory_space<hbm>>
    %dma_start3A_164 = tpu.memref_slice %arg3[%add3A_160] : memref<163840xf32, #tpu.memory_space<hbm>> -> memref<1024xf32, #tpu.memory_space<hbm>>
    %dma_start3A_165 = arith.constant 0 : i32
    %dma_start3A_166 = tpu.memref_slice %arg6[%dma_start3A_165] : memref<10240xf32, #tpu.memory_space<vmem>> -> memref<1024xf32, #tpu.memory_space<vmem>>
    tpu.enqueue_dma source(%dma_start3A_166 : memref<1024xf32, #tpu.memory_space<vmem>>) target(%dma_start3A_164 : memref<1024xf32, #tpu.memory_space<hbm>>) target_semaphore(%arg8 : memref<!tpu.dma_semaphore, #tpu.memory_space<semaphore_mem>>)
    %add3A_167 = arith.constant 16384 : i32
    %add3A_168 = arith.addi %add3A_167, %mul3A_2 : i32
    %dma_start3A_169 = arith.constant 1024 : i32
    %dma_start3A_170 = tpu.memref_slice %arg6[%dma_start3A_169] : memref<10240xf32, #tpu.memory_space<vmem>> -> memref<1024xf32, #tpu.memory_space<vmem>>
    %dma_start3A_171 = tpu.memref_slice %arg3[%add3A_168] : memref<163840xf32, #tpu.memory_space<hbm>> -> memref<1024xf32, #tpu.memory_space<hbm>>
    %dma_start3A_172 = tpu.memref_slice %arg3[%add3A_168] : memref<163840xf32, #tpu.memory_space<hbm>> -> memref<1024xf32, #tpu.memory_space<hbm>>
    %dma_start3A_173 = arith.constant 1024 : i32
    %dma_start3A_174 = tpu.memref_slice %arg6[%dma_start3A_173] : memref<10240xf32, #tpu.memory_space<vmem>> -> memref<1024xf32, #tpu.memory_space<vmem>>
    tpu.enqueue_dma source(%dma_start3A_174 : memref<1024xf32, #tpu.memory_space<vmem>>) target(%dma_start3A_172 : memref<1024xf32, #tpu.memory_space<hbm>>) target_semaphore(%arg8 : memref<!tpu.dma_semaphore, #tpu.memory_space<semaphore_mem>>)
    %add3A_175 = arith.constant 32768 : i32
    %add3A_176 = arith.addi %add3A_175, %mul3A_2 : i32
    %dma_start3A_177 = arith.constant 2048 : i32
    %dma_start3A_178 = tpu.memref_slice %arg6[%dma_start3A_177] : memref<10240xf32, #tpu.memory_space<vmem>> -> memref<1024xf32, #tpu.memory_space<vmem>>
    %dma_start3A_179 = tpu.memref_slice %arg3[%add3A_176] : memref<163840xf32, #tpu.memory_space<hbm>> -> memref<1024xf32, #tpu.memory_space<hbm>>
    %dma_start3A_180 = tpu.memref_slice %arg3[%add3A_176] : memref<163840xf32, #tpu.memory_space<hbm>> -> memref<1024xf32, #tpu.memory_space<hbm>>
    %dma_start3A_181 = arith.constant 2048 : i32
    %dma_start3A_182 = tpu.memref_slice %arg6[%dma_start3A_181] : memref<10240xf32, #tpu.memory_space<vmem>> -> memref<1024xf32, #tpu.memory_space<vmem>>
    tpu.enqueue_dma source(%dma_start3A_182 : memref<1024xf32, #tpu.memory_space<vmem>>) target(%dma_start3A_180 : memref<1024xf32, #tpu.memory_space<hbm>>) target_semaphore(%arg8 : memref<!tpu.dma_semaphore, #tpu.memory_space<semaphore_mem>>)
    %add3A_183 = arith.constant 49152 : i32
    %add3A_184 = arith.addi %add3A_183, %mul3A_2 : i32
    %dma_start3A_185 = arith.constant 3072 : i32
    %dma_start3A_186 = tpu.memref_slice %arg6[%dma_start3A_185] : memref<10240xf32, #tpu.memory_space<vmem>> -> memref<1024xf32, #tpu.memory_space<vmem>>
    %dma_start3A_187 = tpu.memref_slice %arg3[%add3A_184] : memref<163840xf32, #tpu.memory_space<hbm>> -> memref<1024xf32, #tpu.memory_space<hbm>>
    %dma_start3A_188 = tpu.memref_slice %arg3[%add3A_184] : memref<163840xf32, #tpu.memory_space<hbm>> -> memref<1024xf32, #tpu.memory_space<hbm>>
    %dma_start3A_189 = arith.constant 3072 : i32
    %dma_start3A_190 = tpu.memref_slice %arg6[%dma_start3A_189] : memref<10240xf32, #tpu.memory_space<vmem>> -> memref<1024xf32, #tpu.memory_space<vmem>>
    tpu.enqueue_dma source(%dma_start3A_190 : memref<1024xf32, #tpu.memory_space<vmem>>) target(%dma_start3A_188 : memref<1024xf32, #tpu.memory_space<hbm>>) target_semaphore(%arg8 : memref<!tpu.dma_semaphore, #tpu.memory_space<semaphore_mem>>)
    %add3A_191 = arith.constant 65536 : i32
    %add3A_192 = arith.addi %add3A_191, %mul3A_2 : i32
    %dma_start3A_193 = arith.constant 4096 : i32
    %dma_start3A_194 = tpu.memref_slice %arg6[%dma_start3A_193] : memref<10240xf32, #tpu.memory_space<vmem>> -> memref<1024xf32, #tpu.memory_space<vmem>>
    %dma_start3A_195 = tpu.memref_slice %arg3[%add3A_192] : memref<163840xf32, #tpu.memory_space<hbm>> -> memref<1024xf32, #tpu.memory_space<hbm>>
    %dma_start3A_196 = tpu.memref_slice %arg3[%add3A_192] : memref<163840xf32, #tpu.memory_space<hbm>> -> memref<1024xf32, #tpu.memory_space<hbm>>
    %dma_start3A_197 = arith.constant 4096 : i32
    %dma_start3A_198 = tpu.memref_slice %arg6[%dma_start3A_197] : memref<10240xf32, #tpu.memory_space<vmem>> -> memref<1024xf32, #tpu.memory_space<vmem>>
    tpu.enqueue_dma source(%dma_start3A_198 : memref<1024xf32, #tpu.memory_space<vmem>>) target(%dma_start3A_196 : memref<1024xf32, #tpu.memory_space<hbm>>) target_semaphore(%arg8 : memref<!tpu.dma_semaphore, #tpu.memory_space<semaphore_mem>>)
    %add3A_199 = arith.constant 81920 : i32
    %add3A_200 = arith.addi %add3A_199, %mul3A_2 : i32
    %dma_start3A_201 = arith.constant 5120 : i32
    %dma_start3A_202 = tpu.memref_slice %arg6[%dma_start3A_201] : memref<10240xf32, #tpu.memory_space<vmem>> -> memref<1024xf32, #tpu.memory_space<vmem>>
    %dma_start3A_203 = tpu.memref_slice %arg3[%add3A_200] : memref<163840xf32, #tpu.memory_space<hbm>> -> memref<1024xf32, #tpu.memory_space<hbm>>
    %dma_start3A_204 = tpu.memref_slice %arg3[%add3A_200] : memref<163840xf32, #tpu.memory_space<hbm>> -> memref<1024xf32, #tpu.memory_space<hbm>>
    %dma_start3A_205 = arith.constant 5120 : i32
    %dma_start3A_206 = tpu.memref_slice %arg6[%dma_start3A_205] : memref<10240xf32, #tpu.memory_space<vmem>> -> memref<1024xf32, #tpu.memory_space<vmem>>
    tpu.enqueue_dma source(%dma_start3A_206 : memref<1024xf32, #tpu.memory_space<vmem>>) target(%dma_start3A_204 : memref<1024xf32, #tpu.memory_space<hbm>>) target_semaphore(%arg8 : memref<!tpu.dma_semaphore, #tpu.memory_space<semaphore_mem>>)
    %add3A_207 = arith.constant 98304 : i32
    %add3A_208 = arith.addi %add3A_207, %mul3A_2 : i32
    %dma_start3A_209 = arith.constant 6144 : i32
    %dma_start3A_210 = tpu.memref_slice %arg6[%dma_start3A_209] : memref<10240xf32, #tpu.memory_space<vmem>> -> memref<1024xf32, #tpu.memory_space<vmem>>
    %dma_start3A_211 = tpu.memref_slice %arg3[%add3A_208] : memref<163840xf32, #tpu.memory_space<hbm>> -> memref<1024xf32, #tpu.memory_space<hbm>>
    %dma_start3A_212 = tpu.memref_slice %arg3[%add3A_208] : memref<163840xf32, #tpu.memory_space<hbm>> -> memref<1024xf32, #tpu.memory_space<hbm>>
    %dma_start3A_213 = arith.constant 6144 : i32
    %dma_start3A_214 = tpu.memref_slice %arg6[%dma_start3A_213] : memref<10240xf32, #tpu.memory_space<vmem>> -> memref<1024xf32, #tpu.memory_space<vmem>>
    tpu.enqueue_dma source(%dma_start3A_214 : memref<1024xf32, #tpu.memory_space<vmem>>) target(%dma_start3A_212 : memref<1024xf32, #tpu.memory_space<hbm>>) target_semaphore(%arg8 : memref<!tpu.dma_semaphore, #tpu.memory_space<semaphore_mem>>)
    %add3A_215 = arith.constant 114688 : i32
    %add3A_216 = arith.addi %add3A_215, %mul3A_2 : i32
    %dma_start3A_217 = arith.constant 7168 : i32
    %dma_start3A_218 = tpu.memref_slice %arg6[%dma_start3A_217] : memref<10240xf32, #tpu.memory_space<vmem>> -> memref<1024xf32, #tpu.memory_space<vmem>>
    %dma_start3A_219 = tpu.memref_slice %arg3[%add3A_216] : memref<163840xf32, #tpu.memory_space<hbm>> -> memref<1024xf32, #tpu.memory_space<hbm>>
    %dma_start3A_220 = tpu.memref_slice %arg3[%add3A_216] : memref<163840xf32, #tpu.memory_space<hbm>> -> memref<1024xf32, #tpu.memory_space<hbm>>
    %dma_start3A_221 = arith.constant 7168 : i32
    %dma_start3A_222 = tpu.memref_slice %arg6[%dma_start3A_221] : memref<10240xf32, #tpu.memory_space<vmem>> -> memref<1024xf32, #tpu.memory_space<vmem>>
    tpu.enqueue_dma source(%dma_start3A_222 : memref<1024xf32, #tpu.memory_space<vmem>>) target(%dma_start3A_220 : memref<1024xf32, #tpu.memory_space<hbm>>) target_semaphore(%arg8 : memref<!tpu.dma_semaphore, #tpu.memory_space<semaphore_mem>>)
    %add3A_223 = arith.constant 131072 : i32
    %add3A_224 = arith.addi %add3A_223, %mul3A_2 : i32
    %dma_start3A_225 = arith.constant 8192 : i32
    %dma_start3A_226 = tpu.memref_slice %arg6[%dma_start3A_225] : memref<10240xf32, #tpu.memory_space<vmem>> -> memref<1024xf32, #tpu.memory_space<vmem>>
    %dma_start3A_227 = tpu.memref_slice %arg3[%add3A_224] : memref<163840xf32, #tpu.memory_space<hbm>> -> memref<1024xf32, #tpu.memory_space<hbm>>
    %dma_start3A_228 = tpu.memref_slice %arg3[%add3A_224] : memref<163840xf32, #tpu.memory_space<hbm>> -> memref<1024xf32, #tpu.memory_space<hbm>>
    %dma_start3A_229 = arith.constant 8192 : i32
    %dma_start3A_230 = tpu.memref_slice %arg6[%dma_start3A_229] : memref<10240xf32, #tpu.memory_space<vmem>> -> memref<1024xf32, #tpu.memory_space<vmem>>
    tpu.enqueue_dma source(%dma_start3A_230 : memref<1024xf32, #tpu.memory_space<vmem>>) target(%dma_start3A_228 : memref<1024xf32, #tpu.memory_space<hbm>>) target_semaphore(%arg8 : memref<!tpu.dma_semaphore, #tpu.memory_space<semaphore_mem>>)
    %add3A_231 = arith.constant 147456 : i32
    %add3A_232 = arith.addi %add3A_231, %mul3A_2 : i32
    %dma_start3A_233 = arith.constant 9216 : i32
    %dma_start3A_234 = tpu.memref_slice %arg6[%dma_start3A_233] : memref<10240xf32, #tpu.memory_space<vmem>> -> memref<1024xf32, #tpu.memory_space<vmem>>
    %dma_start3A_235 = tpu.memref_slice %arg3[%add3A_232] : memref<163840xf32, #tpu.memory_space<hbm>> -> memref<1024xf32, #tpu.memory_space<hbm>>
    %dma_start3A_236 = tpu.memref_slice %arg3[%add3A_232] : memref<163840xf32, #tpu.memory_space<hbm>> -> memref<1024xf32, #tpu.memory_space<hbm>>
    %dma_start3A_237 = arith.constant 9216 : i32
    %dma_start3A_238 = tpu.memref_slice %arg6[%dma_start3A_237] : memref<10240xf32, #tpu.memory_space<vmem>> -> memref<1024xf32, #tpu.memory_space<vmem>>
    tpu.enqueue_dma source(%dma_start3A_238 : memref<1024xf32, #tpu.memory_space<vmem>>) target(%dma_start3A_236 : memref<1024xf32, #tpu.memory_space<hbm>>) target_semaphore(%arg8 : memref<!tpu.dma_semaphore, #tpu.memory_space<semaphore_mem>>)
    %dma_wait3A_239 = arith.constant 0 : i32
    %dma_wait3A_240 = tpu.memref_slice %arg6[%dma_wait3A_239] : memref<10240xf32, #tpu.memory_space<vmem>> -> memref<1024xf32, #tpu.memory_space<vmem>>
    %dma_wait3A_241 = tpu.memref_slice %arg3[%add3A_160] : memref<163840xf32, #tpu.memory_space<hbm>> -> memref<1024xf32, #tpu.memory_space<hbm>>
    %dma_wait3A_242 = tpu.memref_slice %arg3[%add3A_160] : memref<163840xf32, #tpu.memory_space<hbm>> -> memref<1024xf32, #tpu.memory_space<hbm>>
    %dma_wait3A_243 = arith.constant 0 : i32
    %dma_wait3A_244 = tpu.memref_slice %arg6[%dma_wait3A_243] : memref<10240xf32, #tpu.memory_space<vmem>> -> memref<1024xf32, #tpu.memory_space<vmem>>
    tpu.wait_dma2 semaphore(%arg8 : memref<!tpu.dma_semaphore, #tpu.memory_space<semaphore_mem>>) src(%dma_wait3A_244 : memref<1024xf32, #tpu.memory_space<vmem>>) dst(%dma_wait3A_242 : memref<1024xf32, #tpu.memory_space<hbm>>)
    %dma_wait3A_245 = arith.constant 1024 : i32
    %dma_wait3A_246 = tpu.memref_slice %arg6[%dma_wait3A_245] : memref<10240xf32, #tpu.memory_space<vmem>> -> memref<1024xf32, #tpu.memory_space<vmem>>
    %dma_wait3A_247 = tpu.memref_slice %arg3[%add3A_168] : memref<163840xf32, #tpu.memory_space<hbm>> -> memref<1024xf32, #tpu.memory_space<hbm>>
    %dma_wait3A_248 = tpu.memref_slice %arg3[%add3A_168] : memref<163840xf32, #tpu.memory_space<hbm>> -> memref<1024xf32, #tpu.memory_space<hbm>>
    %dma_wait3A_249 = arith.constant 1024 : i32
    %dma_wait3A_250 = tpu.memref_slice %arg6[%dma_wait3A_249] : memref<10240xf32, #tpu.memory_space<vmem>> -> memref<1024xf32, #tpu.memory_space<vmem>>
    tpu.wait_dma2 semaphore(%arg8 : memref<!tpu.dma_semaphore, #tpu.memory_space<semaphore_mem>>) src(%dma_wait3A_250 : memref<1024xf32, #tpu.memory_space<vmem>>) dst(%dma_wait3A_248 : memref<1024xf32, #tpu.memory_space<hbm>>)
    %dma_wait3A_251 = arith.constant 2048 : i32
    %dma_wait3A_252 = tpu.memref_slice %arg6[%dma_wait3A_251] : memref<10240xf32, #tpu.memory_space<vmem>> -> memref<1024xf32, #tpu.memory_space<vmem>>
    %dma_wait3A_253 = tpu.memref_slice %arg3[%add3A_176] : memref<163840xf32, #tpu.memory_space<hbm>> -> memref<1024xf32, #tpu.memory_space<hbm>>
    %dma_wait3A_254 = tpu.memref_slice %arg3[%add3A_176] : memref<163840xf32, #tpu.memory_space<hbm>> -> memref<1024xf32, #tpu.memory_space<hbm>>
    %dma_wait3A_255 = arith.constant 2048 : i32
    %dma_wait3A_256 = tpu.memref_slice %arg6[%dma_wait3A_255] : memref<10240xf32, #tpu.memory_space<vmem>> -> memref<1024xf32, #tpu.memory_space<vmem>>
    tpu.wait_dma2 semaphore(%arg8 : memref<!tpu.dma_semaphore, #tpu.memory_space<semaphore_mem>>) src(%dma_wait3A_256 : memref<1024xf32, #tpu.memory_space<vmem>>) dst(%dma_wait3A_254 : memref<1024xf32, #tpu.memory_space<hbm>>)
    %dma_wait3A_257 = arith.constant 3072 : i32
    %dma_wait3A_258 = tpu.memref_slice %arg6[%dma_wait3A_257] : memref<10240xf32, #tpu.memory_space<vmem>> -> memref<1024xf32, #tpu.memory_space<vmem>>
    %dma_wait3A_259 = tpu.memref_slice %arg3[%add3A_184] : memref<163840xf32, #tpu.memory_space<hbm>> -> memref<1024xf32, #tpu.memory_space<hbm>>
    %dma_wait3A_260 = tpu.memref_slice %arg3[%add3A_184] : memref<163840xf32, #tpu.memory_space<hbm>> -> memref<1024xf32, #tpu.memory_space<hbm>>
    %dma_wait3A_261 = arith.constant 3072 : i32
    %dma_wait3A_262 = tpu.memref_slice %arg6[%dma_wait3A_261] : memref<10240xf32, #tpu.memory_space<vmem>> -> memref<1024xf32, #tpu.memory_space<vmem>>
    tpu.wait_dma2 semaphore(%arg8 : memref<!tpu.dma_semaphore, #tpu.memory_space<semaphore_mem>>) src(%dma_wait3A_262 : memref<1024xf32, #tpu.memory_space<vmem>>) dst(%dma_wait3A_260 : memref<1024xf32, #tpu.memory_space<hbm>>)
    %dma_wait3A_263 = arith.constant 4096 : i32
    %dma_wait3A_264 = tpu.memref_slice %arg6[%dma_wait3A_263] : memref<10240xf32, #tpu.memory_space<vmem>> -> memref<1024xf32, #tpu.memory_space<vmem>>
    %dma_wait3A_265 = tpu.memref_slice %arg3[%add3A_192] : memref<163840xf32, #tpu.memory_space<hbm>> -> memref<1024xf32, #tpu.memory_space<hbm>>
    %dma_wait3A_266 = tpu.memref_slice %arg3[%add3A_192] : memref<163840xf32, #tpu.memory_space<hbm>> -> memref<1024xf32, #tpu.memory_space<hbm>>
    %dma_wait3A_267 = arith.constant 4096 : i32
    %dma_wait3A_268 = tpu.memref_slice %arg6[%dma_wait3A_267] : memref<10240xf32, #tpu.memory_space<vmem>> -> memref<1024xf32, #tpu.memory_space<vmem>>
    tpu.wait_dma2 semaphore(%arg8 : memref<!tpu.dma_semaphore, #tpu.memory_space<semaphore_mem>>) src(%dma_wait3A_268 : memref<1024xf32, #tpu.memory_space<vmem>>) dst(%dma_wait3A_266 : memref<1024xf32, #tpu.memory_space<hbm>>)
    %dma_wait3A_269 = arith.constant 5120 : i32
    %dma_wait3A_270 = tpu.memref_slice %arg6[%dma_wait3A_269] : memref<10240xf32, #tpu.memory_space<vmem>> -> memref<1024xf32, #tpu.memory_space<vmem>>
    %dma_wait3A_271 = tpu.memref_slice %arg3[%add3A_200] : memref<163840xf32, #tpu.memory_space<hbm>> -> memref<1024xf32, #tpu.memory_space<hbm>>
    %dma_wait3A_272 = tpu.memref_slice %arg3[%add3A_200] : memref<163840xf32, #tpu.memory_space<hbm>> -> memref<1024xf32, #tpu.memory_space<hbm>>
    %dma_wait3A_273 = arith.constant 5120 : i32
    %dma_wait3A_274 = tpu.memref_slice %arg6[%dma_wait3A_273] : memref<10240xf32, #tpu.memory_space<vmem>> -> memref<1024xf32, #tpu.memory_space<vmem>>
    tpu.wait_dma2 semaphore(%arg8 : memref<!tpu.dma_semaphore, #tpu.memory_space<semaphore_mem>>) src(%dma_wait3A_274 : memref<1024xf32, #tpu.memory_space<vmem>>) dst(%dma_wait3A_272 : memref<1024xf32, #tpu.memory_space<hbm>>)
    %dma_wait3A_275 = arith.constant 6144 : i32
    %dma_wait3A_276 = tpu.memref_slice %arg6[%dma_wait3A_275] : memref<10240xf32, #tpu.memory_space<vmem>> -> memref<1024xf32, #tpu.memory_space<vmem>>
    %dma_wait3A_277 = tpu.memref_slice %arg3[%add3A_208] : memref<163840xf32, #tpu.memory_space<hbm>> -> memref<1024xf32, #tpu.memory_space<hbm>>
    %dma_wait3A_278 = tpu.memref_slice %arg3[%add3A_208] : memref<163840xf32, #tpu.memory_space<hbm>> -> memref<1024xf32, #tpu.memory_space<hbm>>
    %dma_wait3A_279 = arith.constant 6144 : i32
    %dma_wait3A_280 = tpu.memref_slice %arg6[%dma_wait3A_279] : memref<10240xf32, #tpu.memory_space<vmem>> -> memref<1024xf32, #tpu.memory_space<vmem>>
    tpu.wait_dma2 semaphore(%arg8 : memref<!tpu.dma_semaphore, #tpu.memory_space<semaphore_mem>>) src(%dma_wait3A_280 : memref<1024xf32, #tpu.memory_space<vmem>>) dst(%dma_wait3A_278 : memref<1024xf32, #tpu.memory_space<hbm>>)
    %dma_wait3A_281 = arith.constant 7168 : i32
    %dma_wait3A_282 = tpu.memref_slice %arg6[%dma_wait3A_281] : memref<10240xf32, #tpu.memory_space<vmem>> -> memref<1024xf32, #tpu.memory_space<vmem>>
    %dma_wait3A_283 = tpu.memref_slice %arg3[%add3A_216] : memref<163840xf32, #tpu.memory_space<hbm>> -> memref<1024xf32, #tpu.memory_space<hbm>>
    %dma_wait3A_284 = tpu.memref_slice %arg3[%add3A_216] : memref<163840xf32, #tpu.memory_space<hbm>> -> memref<1024xf32, #tpu.memory_space<hbm>>
    %dma_wait3A_285 = arith.constant 7168 : i32
    %dma_wait3A_286 = tpu.memref_slice %arg6[%dma_wait3A_285] : memref<10240xf32, #tpu.memory_space<vmem>> -> memref<1024xf32, #tpu.memory_space<vmem>>
    tpu.wait_dma2 semaphore(%arg8 : memref<!tpu.dma_semaphore, #tpu.memory_space<semaphore_mem>>) src(%dma_wait3A_286 : memref<1024xf32, #tpu.memory_space<vmem>>) dst(%dma_wait3A_284 : memref<1024xf32, #tpu.memory_space<hbm>>)
    %dma_wait3A_287 = arith.constant 8192 : i32
    %dma_wait3A_288 = tpu.memref_slice %arg6[%dma_wait3A_287] : memref<10240xf32, #tpu.memory_space<vmem>> -> memref<1024xf32, #tpu.memory_space<vmem>>
    %dma_wait3A_289 = tpu.memref_slice %arg3[%add3A_224] : memref<163840xf32, #tpu.memory_space<hbm>> -> memref<1024xf32, #tpu.memory_space<hbm>>
    %dma_wait3A_290 = tpu.memref_slice %arg3[%add3A_224] : memref<163840xf32, #tpu.memory_space<hbm>> -> memref<1024xf32, #tpu.memory_space<hbm>>
    %dma_wait3A_291 = arith.constant 8192 : i32
    %dma_wait3A_292 = tpu.memref_slice %arg6[%dma_wait3A_291] : memref<10240xf32, #tpu.memory_space<vmem>> -> memref<1024xf32, #tpu.memory_space<vmem>>
    tpu.wait_dma2 semaphore(%arg8 : memref<!tpu.dma_semaphore, #tpu.memory_space<semaphore_mem>>) src(%dma_wait3A_292 : memref<1024xf32, #tpu.memory_space<vmem>>) dst(%dma_wait3A_290 : memref<1024xf32, #tpu.memory_space<hbm>>)
    %dma_wait3A_293 = arith.constant 9216 : i32
    %dma_wait3A_294 = tpu.memref_slice %arg6[%dma_wait3A_293] : memref<10240xf32, #tpu.memory_space<vmem>> -> memref<1024xf32, #tpu.memory_space<vmem>>
    %dma_wait3A_295 = tpu.memref_slice %arg3[%add3A_232] : memref<163840xf32, #tpu.memory_space<hbm>> -> memref<1024xf32, #tpu.memory_space<hbm>>
    %dma_wait3A_296 = tpu.memref_slice %arg3[%add3A_232] : memref<163840xf32, #tpu.memory_space<hbm>> -> memref<1024xf32, #tpu.memory_space<hbm>>
    %dma_wait3A_297 = arith.constant 9216 : i32
    %dma_wait3A_298 = tpu.memref_slice %arg6[%dma_wait3A_297] : memref<10240xf32, #tpu.memory_space<vmem>> -> memref<1024xf32, #tpu.memory_space<vmem>>
    tpu.wait_dma2 semaphore(%arg8 : memref<!tpu.dma_semaphore, #tpu.memory_space<semaphore_mem>>) src(%dma_wait3A_298 : memref<1024xf32, #tpu.memory_space<vmem>>) dst(%dma_wait3A_296 : memref<1024xf32, #tpu.memory_space<hbm>>)
    return
  }
}

</mosaic_0001>

<sc_bundles>
// kernel: kernel.3.cloned.1.call-start
scs
__scs_entry_jumppad:
0x0: {  	(pc) =	sbr.rel $0x88, $3  }
0x1: {  	(tag) =	ssettag $0x0;
	lr =	simm.s32 $0x1  }
0x2: {  	[smem:$0x3FA0] =	sst lr;
	_ =	strace $0xD0000000  }
0x3: {  	_ = 	snop  }
0x4: {  	_ = 	snop  }
0x5: {  	_ = 	snop  }
0x6: {  	_ = 	snop  }
0x7: {  	_ = 	snop  }
__scs_overlays_trampoline_lowered:
0x8: {  	[smem:$0x3FAF] =	sst s0  }
0x9: {  	[smem:$0x3FB0] =	sst s1  }
0xa: {  	[smem:$0x3FB1] =	sst s2  }
0xb: {  	[smem:$0x3FB2] =	sst s3  }
0xc: {  	[smem:$0x3FB3] =	sst s4  }
0xd: {  	[smem:$0x3FB4] =	sst s5  }
0xe: {  	[smem:$0x3FB5] =	sst s6  }
0xf: {  	[smem:$0x3FB6] =	sst s7  }
0x10: {  	[smem:$0x3FB7] =	sst s8  }
0x11: {  	[smem:$0x3FB8] =	sst s9;
	s0 =	simm.s32 @!p0 $0x0  }
0x12: {  	s1 =	sld [smem:$0x3F9E];
	s0 =	simm.s32 @p0 $0x1  }
0x13: {  	[smem:$0x3FB9] =	sst s0;
	s0 =	simm.s32 @!p1 $0x0  }
0x14: {  	s2 =	sld [smem:$0x3F9D];
	s0 =	simm.s32 @p1 $0x1  }
0x15: {  	[smem:$0x3FBA] =	sst s0;
	s0 =	simm.s32 @!p2 $0x0  }
0x16: {  	s3 =	sld [smem:$0x3FDB];
	s0 =	simm.s32 @p2 $0x1  }
0x17: {  	s4 =	simm.s32 $0x1BF5;
	[smem:$0x3FBC] =	sst s0  }
0x18: {  	s0 =	sld [smem:$0x3F9F];
	_ =	swait.ge [sflag:s4], $0x0  }
0x19: {  	s7 =	sld [smem:$0x3FA0]  }
0x1a: {  	s8 =	sadd.s32 $0xFFFFE003, lr  }
0x1b: {  	s9 =	sadd.s32 $0xFFFFFEF7, lr;
	s5 =	simm.s32 $0xFFFFFFFF;
	p2 =	slt.u32 s8, $0xFFFFF086  }
0x1c: {  	p1 =	slt.u32 s9, $0xF7A;
	s5 =	simm.s32 @!p2 $0x0  }
0x1d: {  	s5 =	simm.s32 @p1 $0x1;
	p0 =	seq.s32 s7, s2  }
0x1e: {  	s7 =	smul.u32 @!p0 $0xF7A, s2;
	p2 =	seq.s32 @!p0 s5, $0x0  }
0x1f: {  	s9 =	smul.u32 $0xF7A, s1;
	s8 =	simm.s32 @!p0 $0x1BF5;
	p2 =	por !p2, p0  }
0x20: {  	[sflag:s8] =	ssyncset.s32 @!p0 $0xFFFFF086;
	s6 =	sadd.s32 @!p0 s3, s7;
	s7 =	simm.s32 @!p0 $0x108  }
0x21: {  	s3 =	sadd.s32 s3, s9;
	s6 =	sadd.s32 @!p0 $0x88, s6;
	s7 =	simm.s32 @p2 $0x1082  }
0x22: {  	[simem:s7], [sflag:s8] =	dma.local @!p0 [hbm:s6], $0xF7A  }
0x23: {  	s9 =	sor.u32 $0xD0000000, s2;
	s6 =	simm.s32 $0x108;
	_ =	swait.ge @!p0 [sflag:s8], $0x0  }
0x24: {  	s3 =	sadd.s32 $0x88, s3;
	s6 =	simm.s32 @!p1 $0x1082;
	[sflag:s4] =	ssyncset.s32 $0xFFFFF086  }
0x25: {  	[simem:s6], [sflag:s4] =	dma.local [hbm:s3], $0xF7A  }
0x26: {  	[smem:$0x3FA0] =	sst s1;
	(tag) =	ssettag s2;
	_ =	strace s9  }
0x27: {  	s1 =	sld [smem:$0x3FB0]  }
0x28: {  	s2 =	sld [smem:$0x3FB1]  }
0x29: {  	s4 =	sld [smem:$0x3FB3]  }
0x2a: {  	p0 =	seq.s32 s5, $0x0;
	s5 =	sld [smem:$0x3FB4]  }
0x2b: {  	s6 =	sld [smem:$0x3FB5]  }
0x2c: {  	s7 =	sld [smem:$0x3FB6]  }
0x2d: {  	s3 =	simm.s32 $0x108;
	s8 =	sld [smem:$0x3FB7]  }
0x2e: {  	s3 =	simm.s32 @!p0 $0x1082;
	s9 =	sld [smem:$0x3FB8]  }
0x2f: {  	lr =	sadd.s32 s0, s3;
	s0 =	sld [smem:$0x3FAF]  }
0x30: {  	s3 =	sld [smem:$0x3FB2]  }
0x31: {  	[smem:$0x3FBB] =	sst s10  }
0x32: {  	s10 =	sld [smem:$0x3FB9];
	_ =	sdelay $0x3  }
0x33: {  	p0 =	seq.s32 s10, $0x1;
	s10 =	sld [smem:$0x3FBB];
	_ =	sdelay $0x3  }
0x34: {  	[smem:$0x3FBB] =	sst s10  }
0x35: {  	s10 =	sld [smem:$0x3FBA];
	_ =	sdelay $0x3  }
0x36: {  	p1 =	seq.s32 s10, $0x1;
	s10 =	sld [smem:$0x3FBB];
	_ =	sdelay $0x3  }
0x37: {  	[smem:$0x3FBB] =	sst s10  }
0x38: {  	s10 =	sld [smem:$0x3FBC]  }
0x39: {  	_ = 	snop;
	(pc) =	sbr.ind lr, $3  }
0x3a: {  	_ = 	snop  }
0x3b: {  	_ = 	snop  }
0x3c: {  	p2 =	seq.s32 s10, $0x1;
	s10 =	sld [smem:$0x3FBB]  }
0x3d: {  	_ =	shalt  }
0x3e: {  	_ =	shalt  }
0x3f: {  	_ =	shalt  }
0x40: {  	_ =	shalt  }
0x41: {  	_ =	shalt  }
0x42: {  	_ =	shalt  }
0x43: {  	_ =	shalt  }
0x44: {  	_ =	shalt  }
0x45: {  	_ =	shalt  }
0x46: {  	_ =	shalt  }
0x47: {  	_ =	shalt  }
0x48: {  	_ =	shalt  }
0x49: {  	_ =	shalt  }
0x4a: {  	_ =	shalt  }
0x4b: {  	_ =	shalt  }
0x4c: {  	_ =	shalt  }
0x4d: {  	_ =	shalt  }
0x4e: {  	_ =	shalt  }
0x4f: {  	_ =	shalt  }
0x50: {  	_ =	shalt  }
0x51: {  	_ =	shalt  }
0x52: {  	_ =	shalt  }
0x53: {  	_ =	shalt  }
0x54: {  	_ =	shalt  }
0x55: {  	_ =	shalt  }
0x56: {  	_ =	shalt  }
0x57: {  	_ =	shalt  }
0x58: {  	_ =	shalt  }
0x59: {  	_ =	shalt  }
0x5a: {  	_ =	shalt  }
0x5b: {  	_ =	shalt  }
0x5c: {  	_ =	shalt  }
0x5d: {  	_ =	shalt  }
0x5e: {  	_ =	shalt  }
0x5f: {  	_ =	shalt  }
0x60: {  	_ =	shalt  }
0x61: {  	_ =	shalt  }
0x62: {  	_ =	shalt  }
0x63: {  	_ =	shalt  }
0x64: {  	_ =	shalt  }
0x65: {  	_ =	shalt  }
0x66: {  	_ =	shalt  }
0x67: {  	_ =	shalt  }
0x68: {  	_ =	shalt  }
0x69: {  	_ =	shalt  }
0x6a: {  	_ =	shalt  }
0x6b: {  	_ =	shalt  }
0x6c: {  	_ =	shalt  }
0x6d: {  	_ =	shalt  }
0x6e: {  	_ =	shalt  }
0x6f: {  	_ =	shalt  }
0x70: {  	_ =	shalt  }
0x71: {  	_ =	shalt  }
0x72: {  	_ =	shalt  }
0x73: {  	_ =	shalt  }
0x74: {  	_ =	shalt  }
0x75: {  	_ =	shalt  }
0x76: {  	_ =	shalt  }
0x77: {  	_ =	shalt  }
0x78: {  	_ =	shalt  }
0x79: {  	_ =	shalt  }
0x7a: {  	_ =	shalt  }
0x7b: {  	_ =	shalt  }
0x7c: {  	_ =	shalt  }
0x7d: {  	_ =	shalt  }
0x7e: {  	_ =	shalt  }
0x7f: {  	_ =	shalt  }
0x80: {  	_ =	shalt  }
0x81: {  	_ =	shalt  }
0x82: {  	_ =	shalt  }
0x83: {  	_ =	shalt  }
0x84: {  	_ =	shalt  }
0x85: {  	_ =	shalt  }
0x86: {  	_ =	shalt  }
0x87: {  	_ =	shalt  }
.Lfunc_end0:
.L_simem_size_0:
called_computation_lowered:
.L_overlay_start_0:
0x88: {  	s0 =	sld [smem:$0x3FD9]  }
0x89: {  	s1 =	sld [smem:$0x3FFE];
	_ =	sdelay $0x3  }
0x8a: {  	s0 =	sadd.s32 s1, s0  }
0x8b: {  	[smem:$0x3FC7] =	sst s0  }
0x8c: {  	_ = 	snop  }
0x8d: {  	s0 =	sld [smem:$0x3FD0];
	_ =	sdelay $0x2  }
0x8e: {  	s2 =	simm.s32 $0xA;
	s3 =	simm.s32 $0x10;
	s14 =	sld [smem:$0x3FC9]  }
0x8f: {  	[smem:s3], [sflag:s2] =	dma.local [hbm:s0], $0x1  }
0x90: {  	_ =	swait.eq [sflag:s2], $0x1  }
0x91: {  	[sflag:s2] =	ssyncset.done $0x0  }
0x92: {  	s15 =	sld [smem:$0x10];
	[sflag:s2] =	ssyncadd.s32 $0xFFFFFFFF  }
0x93: {  	s16 =	sld [smem:$0x11];
	(tm) =	ssettm $0x1  }
0x94: {  	s17 =	sld [smem:$0x3FFB];
	_ =	sdelay $0x3  }
0x95: {  	_ =	strace s17  }
0x96: {  	s3 =	sld [smem:$0x3FFC];
	_ =	sdelay $0x3  }
0x97: {  	_ =	strace s3  }
0x98: {  	s3 =	sld [smem:$0x3FFD];
	_ =	sdelay $0x3  }
0x99: {  	_ =	strace s3  }
0x9a: {  	_ =	strace $0x8FFFFFFF  }
0x9b: {  	s18 =	sld [smem:$0x3FDB];
	_ =	sdelay $0x1  }
0x9c: {  	s4 =	simm.s32 $_scs_section_size  }
0x9d: {  	s5 =	simm.s32 $_size__tile_overlayer_lowered;
	s6 =	simm.s32 $_tile_overlayer_lowered  }
0x9e: {  	s21 =	simm.s32 $0x1BFF;
	s20 =	sshll.u32 s6, $0x1;
	s3 =	sadd.s32 s4, s18  }
0x9f: {  	s7 =	simm.s32 $0x0;
	s19 =	sshll.u32 s5, $0x1;
	s5 =	sadd.s32 s20, s3  }
0xa0: {  	[timem:s7], [sflag:s21] =	dma.local [hbm:s5], s19  }
0xa1: {  	_ =	swait.ge [sflag:s21], s19  }
0xa2: {  	s4 =	ssub.s32 $0x0, s19;
	[sflag:s21] =	ssyncset.done $0x0  }
0xa3: {  	[sflag:s21] =	ssyncadd.s32 s4;
	_ =	sdelay $0x1  }
0xa4: {  	s22 =	simm.s32 $0x1B8B  }
0xa5: {  	_ =	swait.ge [sflag:s22], $0x1  }
0xa6: {  	[sflag:s22] =	ssyncset.done $0x0  }
0xa7: {  	s23 =	simm.s32 $0x1B8E;
	[sflag:s22] =	ssyncadd.s32 $0xFFFFFFFF  }
0xa8: {  	s24 =	simm.s32 $execute0_lowered;
	[smem:$0x3FD2] =	sst s23  }
0xa9: {  	s4 =	sshll.u32 s24, $0x1;
	_ =	strace $0x80000046;
	[dreg:$0x1] =	wrdreg $0xFFFFFFFF  }
0xaa: {  	s25 =	simm.s32 $_size_execute0_lowered;
	s3 =	sadd.s32 s3, s4;
	[dreg:$0x0] =	wrdreg $0x0  }
0xab: {  	s4 =	sshll.u32 s25, $0x1;
	[dreg:$0x2] =	wrdreg s3  }
0xac: {  	[dreg:$0x3] =	wrdreg s4  }
0xad: {  	[dreg:$0x4] =	wrdreg $0xC0  }
0xae: {  	_ =	task [dreg:s7], $0x5FFFF  }
0xaf: {  	[dreg:$0x1] =	wrdreg $0xFFFFFFFF  }
0xb0: {  	[dreg:$0x0] =	wrdreg $0x60  }
0xb1: {  	[dreg:$0x2] =	wrdreg s14  }
0xb2: {  	[dreg:$0x3] =	wrdreg s15  }
0xb3: {  	[dreg:$0x4] =	wrdreg s16  }
0xb4: {  	[dreg:$0x5] =	wrdreg $0x9  }
0xb5: {  	_ =	task.clear_ibuf [dreg:s7], $0x6FFFF;
	_ =	strace $0x90000046  }
0xb6: {  	s26 =	simm.s32 $0x9;
	_ =	strace $0x80000048  }
0xb7: {  	_ =	swait.ge [sflag:s26], $0x1  }
0xb8: {  	[sflag:s26] =	ssyncadd.s32 $0xFFFFFFFF  }
0xb9: {  	_ =	strace $0x90000048  }
0xba: {  	_ =	sfence  }
0xbb: {  	s28 =	sld [smem:$0x0];
	_ =	sdelay $0x1  }
0xbc: {  	s29 =	srdreg.scid  }
0xbd: {  	s30 =	sshll.u32 s29, $0xD;
	s31 =	sshrl.u32 s29, $0x2  }
0xbe: {  	s1 =	sand.u32 $0x1, s29;
	s2 =	sand.u32 $0x4000, s30;
	s0 =	sadd.s32 s31, s28  }
0xbf: {  	s1 =	sor.u32 s2, s1;
	s0 =	sshll.u32 s0, $0x11  }
0xc0: {  	s0 =	sor.u32 s0, s1  }
0xc1: {  	s0 =	sadd.s32 $0x8F2B, s0  }
0xc2: {  	[sflag:s0] =	ssyncadd.remote.s32 $0x1  }
0xc3: {  	_ =	sfence.sel $0xFFFF  }
0xc4: {  	[dreg:$0x0] =	wrdreg $0xFFFFFFFF;
	(pc) =	sbr.abs _section_cstart, $3  }
0xc5: {  	[dreg:$0x1] =	wrdreg $0xFFFFFFFF  }
0xc6: {  	_ =	task.clear_ibuf [dreg:s7], $0x2FFFF;
	_ =	strace $0x9FFFFFFF  }
0xc7: {  	(tm) =	ssettm $0x7FFFFFFF  }
tec
execute0_lowered:
.L_overlay_start_1:
0x0: {  	(tag) =	ssettag $0x1  }
0x1: {  	s4 =	rddreg [dreg:$0x0]  }
0x2: {  	s2 =	rddreg [dreg:$0x1]  }
0x3: {  	s14 =	rddreg [dreg:$0x2]  }
0x4: {  	s0 =	rddreg [dreg:$0x3];
	s25 =	simm.s32 $0x0;
	s1 =	stileid.u32  }
0x5: {  	[smem:$0x7FF] =	sst s25;
	s3 =	sshll.u32 s1, $0x7  }
0x6: {  	s13 =	simm.s32 $0x450;
	_ =	strace $0x80000047;
	s4 =	sadd.s32 s4, s3  }
0x7: {  	v0 =	vimm.f32 $9.999999710e-10;
	[tilespmem:s25], [sflag:$0x1] =	stream.linear.gather [hbm4b:s4+s25], $0x400, $0x38;
	[tilespmem:$0x2C00] =	vst v63  }
0x8: {  	[tilespmem:s13+$0xFFFFFFC0] =	vst v0  }
0x9: {  	s15 =	sadd.s32 s14, s3;
	s12 =	sor.u32 $0x800, s3;
	s7 =	sor.u32 $0x1000, s3;
	[tilespmem:s13+$0xFFFFFFD0] =	vst v0  }
0xa: {  	s10 =	sor.u32 $0x1800, s3;
	s11 =	sor.u32 $0x2000, s3;
	s5 =	sor.u32 $0x2800, s3;
	[tilespmem:s13+$0xFFFFFFE0] =	vst v0  }
0xb: {  	s8 =	sor.u32 $0x3000, s3;
	s9 =	sor.u32 $0x3800, s3;
	s6 =	sor.u32 $0x4800, s3;
	[tilespmem:s13+$0xFFFFFFF0] =	vst v0  }
0xc: {  	s17 =	sadd.s32 s14, s12;
	s16 =	sadd.s32 s14, s7;
	s18 =	sadd.s32 s14, s10;
	[tilespmem:s13+$0x0] =	vst v0  }
0xd: {  	s20 =	sadd.s32 s14, s11;
	s19 =	sadd.s32 s14, s5;
	s21 =	sadd.s32 s14, s8;
	[tilespmem:s13+$0x10] =	vst v0  }
0xe: {  	s4 =	sor.u32 $0x4000, s3;
	s23 =	sadd.s32 s14, s9;
	s24 =	sadd.s32 s14, s6;
	[tilespmem:s13+$0x20] =	vst v0  }
0xf: {  	s25 =	sand.u32 $0x3FE0, s25;
	s22 =	sadd.s32 s14, s4;
	[tilespmem:s13+$0xFFFFFFB0] =	vst v0;
	s14 =	simm.s32 $0xA0  }
.LBB2_1:
0x10: {  	p0 =	sne.s32 s14, $0x2760;
	[tilespmem:s25+$0x480] =	vst v0  }
0x11: {  	[tilespmem:s13+$0x40] =	vst v0;
	s13 =	sadd.s32 $0xA0, s13  }
0x12: {  	[tilespmem:s13+$0xFFFFFFC0] =	vst v0  }
0x13: {  	[tilespmem:s13+$0xFFFFFFD0] =	vst v0  }
0x14: {  	[tilespmem:s13+$0xFFFFFFE0] =	vst v0  }
.Ltmp0:
0x15: {  	[tilespmem:s13+$0xFFFFFFF0] =	vst v0;
	(pc) =	sbr.rel @p0 .LBB2_1-.Ltmp0, $4  }
0x16: {  	[tilespmem:s13+$0x0] =	vst v0  }
0x17: {  	[tilespmem:s13+$0x10] =	vst v0  }
0x18: {  	[tilespmem:s13+$0x20] =	vst v0  }
0x19: {  	s25 =	sand.u32 $0x3FE0, s14;
	s14 =	sadd.s32 $0xA0, s14;
	[tilespmem:s13+$0xFFFFFFB0] =	vst v0  }
0x1a: {  	[tilespmem:s25+$0x480] =	vst v0  }
0x1b: {  	s14 =	simm.s32 $0x0;
	[tilespmem:s13+$0x40] =	vst v0;
	s13 =	simm.s32 $0x400  }
0x1c: {  	[hbm4b:s15+s14] =	stream.linear.scatter [tilespmem:s13], [sflag:$0x2], $0x400, $0x38;
	[tilespmem:$0x2C00] =	vst v63  }
0x1d: {  	s30 =	simm.s32 $0x800  }
0x1e: {  	[hbm4b:s17+s14] =	stream.linear.scatter [tilespmem:s30], [sflag:$0x2], $0x400, $0x38;
	[tilespmem:$0x2C00] =	vst v63  }
0x1f: {  	s31 =	simm.s32 $0xC00  }
0x20: {  	[hbm4b:s16+s14] =	stream.linear.scatter [tilespmem:s31], [sflag:$0x2], $0x400, $0x38;
	[tilespmem:$0x2C00] =	vst v63  }
0x21: {  	s17 =	simm.s32 $0x1000  }
0x22: {  	[hbm4b:s18+s14] =	stream.linear.scatter [tilespmem:s17], [sflag:$0x2], $0x400, $0x38;
	[tilespmem:$0x2C00] =	vst v63  }
0x23: {  	s18 =	simm.s32 $0x1400  }
0x24: {  	[hbm4b:s20+s14] =	stream.linear.scatter [tilespmem:s18], [sflag:$0x2], $0x400, $0x38;
	[tilespmem:$0x2C00] =	vst v63  }
0x25: {  	s20 =	simm.s32 $0x1800  }
0x26: {  	[hbm4b:s19+s14] =	stream.linear.scatter [tilespmem:s20], [sflag:$0x2], $0x400, $0x38;
	[tilespmem:$0x2C00] =	vst v63  }
0x27: {  	s25 =	simm.s32 $0x1C00  }
0x28: {  	[hbm4b:s21+s14] =	stream.linear.scatter [tilespmem:s25], [sflag:$0x2], $0x400, $0x38;
	[tilespmem:$0x2C00] =	vst v63  }
0x29: {  	s26 =	simm.s32 $0x2000  }
0x2a: {  	[hbm4b:s23+s14] =	stream.linear.scatter [tilespmem:s26], [sflag:$0x2], $0x400, $0x38;
	[tilespmem:$0x2C00] =	vst v63  }
0x2b: {  	s28 =	simm.s32 $0x2400  }
0x2c: {  	[hbm4b:s22+s14] =	stream.linear.scatter [tilespmem:s28], [sflag:$0x2], $0x400, $0x38;
	[tilespmem:$0x2C00] =	vst v63  }
0x2d: {  	s29 =	simm.s32 $0x2800;
	s30 =	simm.s32 $0x1  }
0x2e: {  	[hbm4b:s24+s14] =	stream.linear.scatter [tilespmem:s29], [sflag:$0x2], $0x400, $0x38;
	[tilespmem:$0x2C00] =	vst v63  }
0x2f: {  	_ =	swait.ge [sflag:s30], $0x400  }
0x30: {  	[sflag:s30] =	ssyncset.done $0x0  }
0x31: {  	s31 =	simm.s32 $0x2;
	[sflag:s30] =	ssyncadd.s32 $0xFFFFFC00  }
0x32: {  	_ =	swait.ge [sflag:s31], $0x400  }
0x33: {  	[sflag:s31] =	ssyncset.done $0x0  }
0x34: {  	[sflag:s31] =	ssyncadd.s32 $0xFFFFFC00  }
0x35: {  	_ =	swait.ge [sflag:s31], $0x400  }
0x36: {  	[sflag:s31] =	ssyncset.done $0x0  }
0x37: {  	[sflag:s31] =	ssyncadd.s32 $0xFFFFFC00  }
0x38: {  	_ =	swait.ge [sflag:s31], $0x400  }
0x39: {  	[sflag:s31] =	ssyncset.done $0x0  }
0x3a: {  	[sflag:s31] =	ssyncadd.s32 $0xFFFFFC00  }
0x3b: {  	_ =	swait.ge [sflag:s31], $0x400  }
0x3c: {  	[sflag:s31] =	ssyncset.done $0x0  }
0x3d: {  	[sflag:s31] =	ssyncadd.s32 $0xFFFFFC00  }
0x3e: {  	_ =	swait.ge [sflag:s31], $0x400  }
0x3f: {  	[sflag:s31] =	ssyncset.done $0x0  }
0x40: {  	[sflag:s31] =	ssyncadd.s32 $0xFFFFFC00  }
0x41: {  	_ =	swait.ge [sflag:s31], $0x400  }
0x42: {  	[sflag:s31] =	ssyncset.done $0x0  }
0x43: {  	[sflag:s31] =	ssyncadd.s32 $0xFFFFFC00  }
0x44: {  	_ =	swait.ge [sflag:s31], $0x400  }
0x45: {  	[sflag:s31] =	ssyncset.done $0x0  }
0x46: {  	[sflag:s31] =	ssyncadd.s32 $0xFFFFFC00  }
0x47: {  	_ =	swait.ge [sflag:s31], $0x400  }
0x48: {  	[sflag:s31] =	ssyncset.done $0x0  }
0x49: {  	[sflag:s31] =	ssyncadd.s32 $0xFFFFFC00  }
0x4a: {  	_ =	swait.ge [sflag:s31], $0x400  }
0x4b: {  	[sflag:s31] =	ssyncset.done $0x0  }
0x4c: {  	[sflag:s31] =	ssyncadd.s32 $0xFFFFFC00  }
0x4d: {  	_ =	swait.ge [sflag:s31], $0x400  }
0x4e: {  	[sflag:s31] =	ssyncset.done $0x0  }
0x4f: {  	[sflag:s31] =	ssyncadd.s32 $0xFFFFFC00  }
0x50: {  	v1 =	vimm.f32 $1.000000000e+00;
	v0 =	vlaneseq.u32;
	s15 =	simm.s32 $0x10;
	s16 =	simm.s32 $0x0;
	v2 =	vld [tilespmem:s14+$0x0]  }
.LBB2_3:
0x51: {  	p0 =	sne.s32 s15, $0x3F0;
	_ =	sdelay $0x3  }
0x52: {  	v2 =	vshll.u32 v2, $0xA  }
0x53: {  	v2 =	vadd.s32 s14, v2;
	s14 =	smov.u32 s15  }
0x54: {  	v2 =	vadd.s32 v0, v2;
	_ =	sdelay $0x1  }
.Ltmp1:
0x55: {  	(pc) =	sbr.rel @p0 .LBB2_3-.Ltmp1, $3  }
0x56: {  	_ =	sdelay $0x1  }
0x57: {  	s16 =	sadd.s32 $0x10, s16;
	[tilespmem:v2+s13+$0x0] =	vst.idx.msk $0xffff, v1  }
0x58: {  	s15 =	sadd.s32 $0x10, s15;
	v2 =	vld [tilespmem:s16+$0x0]  }
0x59: {  	_ =	sdelay $0x3  }
0x5a: {  	v2 =	vshll.u32 v2, $0xA  }
0x5b: {  	v2 =	vadd.s32 s14, v2  }
0x5c: {  	v0 =	vadd.s32 v0, v2;
	_ =	sdelay $0x4  }
0x5d: {  	s3 =	sadd.s32 s2, s3;
	s29 =	simm.s32 $0x400;
	[tilespmem:v0+s13+$0x0] =	vst.idx.msk $0xffff, v1;
	s13 =	simm.s32 $0x0  }
0x5e: {  	[hbm4b:s3+s13] =	stream.linear.scatter [tilespmem:s29], [sflag:$0x2], $0x400, $0x38;
	[tilespmem:$0x2C00] =	vst v63  }
0x5f: {  	s30 =	sadd.s32 s2, s12;
	s31 =	simm.s32 $0x800  }
0x60: {  	[hbm4b:s30+s13] =	stream.linear.scatter [tilespmem:s31], [sflag:$0x2], $0x400, $0x38;
	[tilespmem:$0x2C00] =	vst v63  }
0x61: {  	s15 =	simm.s32 $0xC00;
	s14 =	sadd.s32 s2, s7  }
0x62: {  	[hbm4b:s14+s13] =	stream.linear.scatter [tilespmem:s15], [sflag:$0x2], $0x400, $0x38;
	[tilespmem:$0x2C00] =	vst v63  }
0x63: {  	s16 =	sadd.s32 s2, s10;
	s17 =	simm.s32 $0x1000  }
0x64: {  	[hbm4b:s16+s13] =	stream.linear.scatter [tilespmem:s17], [sflag:$0x2], $0x400, $0x38;
	[tilespmem:$0x2C00] =	vst v63  }
0x65: {  	s18 =	sadd.s32 s2, s11;
	s19 =	simm.s32 $0x1400  }
0x66: {  	[hbm4b:s18+s13] =	stream.linear.scatter [tilespmem:s19], [sflag:$0x2], $0x400, $0x38;
	[tilespmem:$0x2C00] =	vst v63  }
0x67: {  	s20 =	sadd.s32 s2, s5;
	s21 =	simm.s32 $0x1800  }
0x68: {  	[hbm4b:s20+s13] =	stream.linear.scatter [tilespmem:s21], [sflag:$0x2], $0x400, $0x38;
	[tilespmem:$0x2C00] =	vst v63  }
0x69: {  	s22 =	sadd.s32 s2, s8;
	s23 =	simm.s32 $0x1C00  }
0x6a: {  	[hbm4b:s22+s13] =	stream.linear.scatter [tilespmem:s23], [sflag:$0x2], $0x400, $0x38;
	[tilespmem:$0x2C00] =	vst v63  }
0x6b: {  	s24 =	sadd.s32 s2, s9;
	s25 =	simm.s32 $0x2000  }
0x6c: {  	[hbm4b:s24+s13] =	stream.linear.scatter [tilespmem:s25], [sflag:$0x2], $0x400, $0x38;
	[tilespmem:$0x2C00] =	vst v63  }
0x6d: {  	s26 =	sadd.s32 s2, s4;
	s28 =	simm.s32 $0x2400  }
0x6e: {  	[hbm4b:s26+s13] =	stream.linear.scatter [tilespmem:s28], [sflag:$0x2], $0x400, $0x38;
	[tilespmem:$0x2C00] =	vst v63  }
0x6f: {  	s29 =	sadd.s32 s2, s6;
	s30 =	simm.s32 $0x2800;
	s31 =	simm.s32 $0x2  }
0x70: {  	[hbm4b:s29+s13] =	stream.linear.scatter [tilespmem:s30], [sflag:$0x2], $0x400, $0x38;
	[tilespmem:$0x2C00] =	vst v63  }
0x71: {  	_ =	swait.ge [sflag:s31], $0x400  }
0x72: {  	[sflag:s31] =	ssyncset.done $0x0  }
0x73: {  	[sflag:s31] =	ssyncadd.s32 $0xFFFFFC00  }
0x74: {  	_ =	swait.ge [sflag:s31], $0x400  }
0x75: {  	[sflag:s31] =	ssyncset.done $0x0  }
0x76: {  	[sflag:s31] =	ssyncadd.s32 $0xFFFFFC00  }
0x77: {  	_ =	swait.ge [sflag:s31], $0x400  }
0x78: {  	[sflag:s31] =	ssyncset.done $0x0  }
0x79: {  	[sflag:s31] =	ssyncadd.s32 $0xFFFFFC00  }
0x7a: {  	_ =	swait.ge [sflag:s31], $0x400  }
0x7b: {  	[sflag:s31] =	ssyncset.done $0x0  }
0x7c: {  	[sflag:s31] =	ssyncadd.s32 $0xFFFFFC00  }
0x7d: {  	_ =	swait.ge [sflag:s31], $0x400  }
0x7e: {  	[sflag:s31] =	ssyncset.done $0x0  }
0x7f: {  	[sflag:s31] =	ssyncadd.s32 $0xFFFFFC00  }
0x80: {  	_ =	swait.ge [sflag:s31], $0x400  }
0x81: {  	[sflag:s31] =	ssyncset.done $0x0  }
0x82: {  	[sflag:s31] =	ssyncadd.s32 $0xFFFFFC00  }
0x83: {  	_ =	swait.ge [sflag:s31], $0x400  }
0x84: {  	[sflag:s31] =	ssyncset.done $0x0  }
0x85: {  	[sflag:s31] =	ssyncadd.s32 $0xFFFFFC00  }
0x86: {  	_ =	swait.ge [sflag:s31], $0x400  }
0x87: {  	[sflag:s31] =	ssyncset.done $0x0  }
0x88: {  	[sflag:s31] =	ssyncadd.s32 $0xFFFFFC00  }
0x89: {  	_ =	swait.ge [sflag:s31], $0x400  }
0x8a: {  	[sflag:s31] =	ssyncset.done $0x0  }
0x8b: {  	[sflag:s31] =	ssyncadd.s32 $0xFFFFFC00  }
0x8c: {  	_ =	swait.ge [sflag:s31], $0x400  }
0x8d: {  	[sflag:s31] =	ssyncset.done $0x0  }
0x8e: {  	[sflag:s31] =	ssyncadd.s32 $0xFFFFFC00  }
0x8f: {  	_ =	sfence.sel $0x180000  }
0x90: {  	[bflag:$0x0] =	sbarrier.arrive $0xFFFF  }
0x91: {  	p0 =	sne.s32 s1, $0x0;
	_ =	strace $0x90000047  }
0x92: {  	s0 =	sadd.s32 @!p0 $0x100000, s0;
	[bflag:$0x2] =	sbarrier.arrive $0xFFFF  }
0x93: {  	[sflag:s0] =	ssyncadd.tile.s32 @!p0 $0x1;
	_ =	shalt  }
.Lfunc_end2:
_tile_overlayer_lowered:
.L_overlay_start_2:
0x94: {  	(tag) =	ssettag $0x2  }
0x95: {  	s0 =	rddreg [dreg:$0x0];
	s2 =	stileid.u32  }
0x96: {  	s1 =	rddreg [dreg:$0x1];
	p0 =	sne.s32 s2, $0x0  }
0x97: {  	s3 =	rddreg [dreg:$0x2];
	[bflag:$0x3] =	sbarrier.arrive $0xFFFF;
	s2 =	simm.s32 @!p0 $0x1C03  }
0x98: {  	[timem:s3], [sflag:s2] =	dma.local @!p0 [hbm:s0], s1  }
0x99: {  	s0 =	simm.s32 @!p0 $0x3  }
0x9a: {  	_ =	swait.ge @!p0 [sflag:s0], s1  }
0x9b: {  	s1 =	ssub.s32 @!p0 $0x0, s1;
	[sflag:s0] =	ssyncset.done @!p0 $0x0  }
0x9c: {  	[sflag:s0] =	ssyncadd.s32 @!p0 s1  }
0x9d: {  	[bflag:$0x3] =	sbarrier.arrive $0xFFFF  }
0x9e: {  	_ =	shalt  }

</sc_bundles>
